<compile_context>
chip_gen: v7x
topology: tpu7x:2x2x1
jax: 0.10.2.dev20260603
libtpu: 0.0.44.dev20260713+nightly
codegen_flags: <defaults>
</compile_context>

<pallas_src>
import functools

import jax
import jax.numpy as jnp
from jax import lax
from jax.experimental import pallas as pl
from jax.experimental.pallas import tpu as pltpu
from jax.experimental.pallas import tpu_sc as plsc

_L = 10000
_D = 128
_E = 320000
_NC = 2
_NS = 16
_NW = _NC * _NS
_C = 128
_NCH = 80
_EPT = _C * _NCH
_EPAD = _NW * _EPT
_LP = 10240
_RPT = _LP // _NS
_N0 = 62
_N1 = 2 * _NCH - _N0

_mesh = plsc.VectorSubcoreMesh(core_axis_name="c", subcore_axis_name="s")


def _make_sc(gather):

    @functools.partial(
        pl.kernel,
        mesh=_mesh,
        out_type=jax.ShapeDtypeStruct((_NC * _LP, _D), jnp.float32),
        scratch_types=[
            pltpu.VMEM((_C,), jnp.int32),
            pltpu.VMEM((_C,), jnp.int32),
            pltpu.VMEM((_C, _D), jnp.float32),
            pltpu.VMEM_SHARED((_LP, _D), jnp.float32),
            pltpu.SemaphoreType.DMA,
        ],
    )
    def k(tbl_hbm, src_hbm, dst_hbm, zeros_hbm, out_hbm,
          idx_s, idx_d, rows_v, acc, sem):
        cid = lax.axis_index("c")
        sid = lax.axis_index("s")
        r0 = sid * _RPT
        nch = lax.select(cid == 0, _N0, _N1)
        base = lax.select(cid == 0, sid * _N0, _NS * _N0 + sid * _N1)
        pltpu.sync_copy(zeros_hbm.at[pl.ds(r0, _RPT)], acc.at[pl.ds(r0, _RPT)])
        if not gather:
            pltpu.sync_copy(tbl_hbm.at[pl.ds(0, _C)], rows_v)
        plsc.subcore_barrier()

        def body(j, carry):
            if gather:
                pltpu.sync_copy(src_hbm.at[base + j], idx_s)
            pltpu.sync_copy(dst_hbm.at[base + j], idx_d)
            if gather:
                pltpu.async_copy(tbl_hbm.at[idx_s], rows_v, sem).wait()
            pltpu.sync_copy(rows_v, acc.at[idx_d], add=True)
            return carry

        lax.fori_loop(0, nch, body, 0)
        plsc.subcore_barrier()

        def wb(kk, carry):
            rr = r0 + kk * _C
            pltpu.sync_copy(acc.at[pl.ds(rr, _C)], rows_v)
            pltpu.sync_copy(rows_v, out_hbm.at[pl.ds(cid * _LP + rr, _C)])
            return carry

        lax.fori_loop(0, _RPT // _C, wb, 0)

    return k


_segsum_sc = _make_sc(gather=True)
_deg_sc = _make_sc(gather=False)


def _proj_body(x_ref, w_ref, b_ref, o_ref):
    o_ref[...] = lax.dot_general(
        x_ref[...], w_ref[...], (((1,), (1,)), ((), ())),
        preferred_element_type=jnp.float32,
        precision=lax.Precision.HIGHEST) + b_ref[...]


_proj = pl.pallas_call(
    _proj_body, out_shape=jax.ShapeDtypeStruct((_L, _D), jnp.float32))


def _layer_body(h_ref, p0_ref, p1_ref, dp_ref, w1_ref, b1_ref, w2_ref, b2_ref,
                g_ref, bb_ref, o_ref):
    deg = dp_ref[0, :_L] + dp_ref[1, :_L]
    inv = 1.0 / jnp.maximum(deg, 1.0)
    m = (p0_ref[...] + p1_ref[...]) * inv[:, None]
    z = lax.dot_general(
        m, w1_ref[...], (((1,), (1,)), ((), ())),
        preferred_element_type=jnp.float32,
        precision=lax.Precision.HIGHEST) + b1_ref[...]
    z = jnp.maximum(z, 0.0)
    z = lax.dot_general(
        z, w2_ref[...], (((1,), (1,)), ((), ())),
        preferred_element_type=jnp.float32,
        precision=lax.Precision.HIGHEST) + b2_ref[...]
    v = h_ref[...] + z
    mu = jnp.mean(v, axis=-1, keepdims=True)
    var = jnp.mean((v - mu) ** 2, axis=-1, keepdims=True)
    o_ref[...] = (v - mu) * lax.rsqrt(var + 1e-5) * g_ref[...] + bb_ref[...]


_layer = pl.pallas_call(
    _layer_body, out_shape=jax.ShapeDtypeStruct((_L, _D), jnp.float32))


def kernel(x, edge_index, in_w, in_b, w1, b1, w2, b2, ln_g, ln_b):
    src = edge_index[0]
    dst = edge_index[1]
    pad = _EPAD - _E
    srcp = jnp.concatenate([src, jnp.zeros((pad,), jnp.int32)]).reshape(
        _NW * _NCH, _C)
    dstp = jnp.concatenate([dst, jnp.full((pad,), _L, jnp.int32)]).reshape(
        _NW * _NCH, _C)
    zeros_nd = jnp.zeros((_LP, _D), jnp.float32)
    ones_nd = jnp.ones((_C, _D), jnp.float32)

    degp = _deg_sc(ones_nd, srcp, dstp, zeros_nd)
    dp = degp[:, 0].reshape(_NC, _LP)

    h = _proj(x, in_w, in_b[None, :])
    for i in range(w1.shape[0]):
        parts = _segsum_sc(h, srcp, dstp, zeros_nd)
        h = _layer(h, parts[:_L], parts[_LP:_LP + _L], dp,
                   w1[i], b1[i][None, :], w2[i], b2[i][None, :],
                   ln_g[i][None, :], ln_b[i][None, :])
    return h

# --- scband reference (transcript-rebuilt; emitter-appended) ---
"""Pipeline reference for scband-lite-gear-net-31688268709972 (READ-ONLY COPY).

The authoritative reference and input builder live on the scoring server;
editing this copy changes nothing except your own understanding.
"""

import jax, jax.numpy as jnp
import numpy as np

L = 10000
D = 128
E = 320000
LAYERS = 3


def _layer_norm(v, g, b):
    mu = jnp.mean(v, axis=-1, keepdims=True)
    var = jnp.var(v, axis=-1, keepdims=True)
    return (v - mu) / jnp.sqrt(var + 1e-5) * g + b


def setup_inputs(seed: int = 0) -> dict:
    key = jax.random.key(seed)
    ks = jax.random.split(key, 12)
    x = jax.random.normal(ks[0], (L, D), dtype=jnp.float32)
    edge_index = jax.random.randint(ks[1], (2, E), 0, L, dtype=jnp.int32)
    s = 0.02
    in_w = s * jax.random.normal(ks[2], (D, D), dtype=jnp.float32)
    in_b = jnp.zeros((D,), dtype=jnp.float32)
    w1 = s * jax.random.normal(ks[3], (LAYERS, D, D), dtype=jnp.float32)
    b1 = jnp.zeros((LAYERS, D), dtype=jnp.float32)
    w2 = s * jax.random.normal(ks[4], (LAYERS, D, D), dtype=jnp.float32)
    b2 = jnp.zeros((LAYERS, D), dtype=jnp.float32)
    ln_g = jnp.ones((LAYERS, D), dtype=jnp.float32)
    ln_b = jnp.zeros((LAYERS, D), dtype=jnp.float32)
    return {"x": x, "edge_index": edge_index, "in_w": in_w, "in_b": in_b,
            "w1": w1, "b1": b1, "w2": w2, "b2": b2, "ln_g": ln_g, "ln_b": ln_b}


def reference(x, edge_index, in_w, in_b, w1, b1, w2, b2, ln_g, ln_b):
    src = edge_index[0]
    dst = edge_index[1]
    h = x @ in_w.T + in_b
    ones = jnp.ones((E,), dtype=jnp.float32)
    for i in range(LAYERS):
        m = jax.ops.segment_sum(h[src], dst, num_segments=L)
        deg = jax.ops.segment_sum(ones, dst, num_segments=L)
        deg = jnp.clip(deg, 1.0)
        m = m / deg[:, None]
        z = jnp.maximum(m @ w1[i].T + b1[i], 0.0) @ w2[i].T + b2[i]
        h = _layer_norm(h + z, ln_g[i], ln_b[i])
    return h

if __name__ == "__main__":
    import jax
    _d = setup_inputs()
    print(jax.jit(kernel)(*tuple(_d.values())))

</pallas_src>

<mosaic_0001>
#map = affine_map<(d0, d1) -> (0, 0)>
module attributes {stable_mosaic.version = 14 : i64} {
  func.func @k(%arg0: i32, %arg1: i32, %arg2: memref<10000x128xf32, #tpu.memory_space<hbm>>, %arg3: memref<2560x128xi32, #tpu.memory_space<hbm>>, %arg4: memref<2560x128xi32, #tpu.memory_space<hbm>>, %arg5: memref<10240x128xf32, #tpu.memory_space<hbm>>, %arg6: memref<20480x128xf32, #tpu.memory_space<hbm>>, %arg7: memref<128xi32, #tpu.memory_space<vmem>>, %arg8: memref<128xi32, #tpu.memory_space<vmem>>, %arg9: memref<128x128xf32, #tpu.memory_space<vmem>>, %arg10: memref<10240x128xf32, #tpu.memory_space<vmem_shared>>, %arg11: memref<!tpu.dma_semaphore, #tpu.memory_space<semaphore_mem>>) attributes {dimension_semantics = [#tpu.dimension_semantics<core_parallel>, #tpu.dimension_semantics<subcore_parallel>], iteration_bounds = array<i64: 2, 16>, scalar_prefetch = 0 : i64, scratch_operands = 5 : i64, tpu.core_type = #tpu.core_type<sc_vector_subcore>, window_params = [{transform_indices = #map}, {transform_indices = #map}, {transform_indices = #map}, {transform_indices = #map}, {transform_indices = #map}]} {
    %mul3A = arith.constant 640 : i32
    %mul3A_0 = arith.muli %arg1, %mul3A : i32
    %eq3A = arith.constant 0 : i32
    %eq3A_1 = arith.cmpi eq, %arg0, %eq3A : i32
    %select_n3A = arith.constant 98 : i32
    %select_n3A_2 = arith.constant 62 : i32
    %select_n3A_3 = arith.select %eq3A_1, %select_n3A_2, %select_n3A : i32
    %eq3A_4 = arith.constant 0 : i32
    %eq3A_5 = arith.cmpi eq, %arg0, %eq3A_4 : i32
    %mul3A_6 = arith.constant 62 : i32
    %mul3A_7 = arith.muli %arg1, %mul3A_6 : i32
    %mul3A_8 = arith.constant 98 : i32
    %mul3A_9 = arith.muli %arg1, %mul3A_8 : i32
    %add3A = arith.constant 992 : i32
    %add3A_10 = arith.addi %add3A, %mul3A_9 : i32
    %select_n3A_11 = arith.select %eq3A_5, %mul3A_7, %add3A_10 : i32
    "tpu.region"() ({
      %run_scoped3A = tpu.sem_alloc : memref<!tpu.dma_semaphore, #tpu.memory_space<semaphore_mem>>
      %dma_start3A = arith.constant 0 : i32
      %dma_start3A_27 = tpu.memref_slice %arg10[%mul3A_0, %dma_start3A] : memref<10240x128xf32, #tpu.memory_space<vmem_shared>> -> memref<640x128xf32, #tpu.memory_space<vmem_shared>>
      %dma_start3A_28 = arith.constant 0 : i32
      %dma_start3A_29 = tpu.memref_slice %arg5[%mul3A_0, %dma_start3A_28] : memref<10240x128xf32, #tpu.memory_space<hbm>> -> memref<640x128xf32, #tpu.memory_space<hbm>>
      tpu.enqueue_dma source(%dma_start3A_29 : memref<640x128xf32, #tpu.memory_space<hbm>>) target(%dma_start3A_27 : memref<640x128xf32, #tpu.memory_space<vmem_shared>>) target_semaphore(%run_scoped3A : memref<!tpu.dma_semaphore, #tpu.memory_space<semaphore_mem>>)
      %dma_wait3A = arith.constant 0 : i32
      %dma_wait3A_30 = tpu.memref_slice %arg10[%mul3A_0, %dma_wait3A] : memref<10240x128xf32, #tpu.memory_space<vmem_shared>> -> memref<640x128xf32, #tpu.memory_space<vmem_shared>>
      %dma_wait3A_31 = arith.constant 0 : i32
      %dma_wait3A_32 = tpu.memref_slice %arg5[%mul3A_0, %dma_wait3A_31] : memref<10240x128xf32, #tpu.memory_space<hbm>> -> memref<640x128xf32, #tpu.memory_space<hbm>>
      tpu.wait_dma2 semaphore(%run_scoped3A : memref<!tpu.dma_semaphore, #tpu.memory_space<semaphore_mem>>) src(%dma_wait3A_32 : memref<640x128xf32, #tpu.memory_space<hbm>>) dst(%dma_wait3A_30 : memref<640x128xf32, #tpu.memory_space<vmem_shared>>)
      tpu.yield
    }) : () -> ()
    %barrier3A = arith.constant 0 : index
    tpu.barrier barrier_id(%barrier3A)
    %while3A = arith.constant 0 : i32
    %while3A_12 = arith.constant 0 : i32
    %while3A_13 = arith.subi %select_n3A_3, %while3A_12 : i32
    %while3A_14 = arith.addi %while3A_12, %while3A_13 : i32
    %while3A_15 = arith.constant 1 : i32
    %while3A_16 = arith.divsi %while3A_13, %while3A_15 : i32
    %while3A_17 = arith.muli %while3A_16, %while3A_15 : i32
    %while3A_18 = arith.addi %while3A_12, %while3A_17 : i32
    %while3A_19 = arith.constant 1 : i32
    scf.for %while3A_27 = %while3A_12 to %while3A_18 step %while3A_19  : i32 {
      %add3A_28 = arith.addi %select_n3A_11, %while3A_27 : i32
      "tpu.region"() ({
        %run_scoped3A = tpu.sem_alloc : memref<!tpu.dma_semaphore, #tpu.memory_space<semaphore_mem>>
        %dma_start3A_34 = arith.constant 0 : i32
        %dma_start3A_35 = tpu.memref_slice %arg3[%add3A_28, %dma_start3A_34] : memref<2560x128xi32, #tpu.memory_space<hbm>> -> memref<1x128xi32, #tpu.memory_space<hbm>>
        %dma_start3A_36 = tpu.memref_squeeze %dma_start3A_35 : memref<1x128xi32, #tpu.memory_space<hbm>> -> memref<128xi32, #tpu.memory_space<hbm>>
        %dma_start3A_37 = arith.constant 0 : i32
        %dma_start3A_38 = tpu.memref_slice %arg3[%add3A_28, %dma_start3A_37] : memref<2560x128xi32, #tpu.memory_space<hbm>> -> memref<1x128xi32, #tpu.memory_space<hbm>>
        %dma_start3A_39 = tpu.memref_squeeze %dma_start3A_38 : memref<1x128xi32, #tpu.memory_space<hbm>> -> memref<128xi32, #tpu.memory_space<hbm>>
        tpu.enqueue_dma source(%dma_start3A_39 : memref<128xi32, #tpu.memory_space<hbm>>) target(%arg7 : memref<128xi32, #tpu.memory_space<vmem>>) target_semaphore(%run_scoped3A : memref<!tpu.dma_semaphore, #tpu.memory_space<semaphore_mem>>)
        %dma_wait3A_40 = arith.constant 0 : i32
        %dma_wait3A_41 = tpu.memref_slice %arg3[%add3A_28, %dma_wait3A_40] : memref<2560x128xi32, #tpu.memory_space<hbm>> -> memref<1x128xi32, #tpu.memory_space<hbm>>
        %dma_wait3A_42 = tpu.memref_squeeze %dma_wait3A_41 : memref<1x128xi32, #tpu.memory_space<hbm>> -> memref<128xi32, #tpu.memory_space<hbm>>
        %dma_wait3A_43 = arith.constant 0 : i32
        %dma_wait3A_44 = tpu.memref_slice %arg3[%add3A_28, %dma_wait3A_43] : memref<2560x128xi32, #tpu.memory_space<hbm>> -> memref<1x128xi32, #tpu.memory_space<hbm>>
        %dma_wait3A_45 = tpu.memref_squeeze %dma_wait3A_44 : memref<1x128xi32, #tpu.memory_space<hbm>> -> memref<128xi32, #tpu.memory_space<hbm>>
        tpu.wait_dma2 semaphore(%run_scoped3A : memref<!tpu.dma_semaphore, #tpu.memory_space<semaphore_mem>>) src(%dma_wait3A_45 : memref<128xi32, #tpu.memory_space<hbm>>) dst(%arg7 : memref<128xi32, #tpu.memory_space<vmem>>)
        tpu.yield
      }) : () -> ()
      %add3A_29 = arith.addi %select_n3A_11, %while3A_27 : i32
      "tpu.region"() ({
        %run_scoped3A = tpu.sem_alloc : memref<!tpu.dma_semaphore, #tpu.memory_space<semaphore_mem>>
        %dma_start3A_34 = arith.constant 0 : i32
        %dma_start3A_35 = tpu.memref_slice %arg4[%add3A_29, %dma_start3A_34] : memref<2560x128xi32, #tpu.memory_space<hbm>> -> memref<1x128xi32, #tpu.memory_space<hbm>>
        %dma_start3A_36 = tpu.memref_squeeze %dma_start3A_35 : memref<1x128xi32, #tpu.memory_space<hbm>> -> memref<128xi32, #tpu.memory_space<hbm>>
        %dma_start3A_37 = arith.constant 0 : i32
        %dma_start3A_38 = tpu.memref_slice %arg4[%add3A_29, %dma_start3A_37] : memref<2560x128xi32, #tpu.memory_space<hbm>> -> memref<1x128xi32, #tpu.memory_space<hbm>>
        %dma_start3A_39 = tpu.memref_squeeze %dma_start3A_38 : memref<1x128xi32, #tpu.memory_space<hbm>> -> memref<128xi32, #tpu.memory_space<hbm>>
        tpu.enqueue_dma source(%dma_start3A_39 : memref<128xi32, #tpu.memory_space<hbm>>) target(%arg8 : memref<128xi32, #tpu.memory_space<vmem>>) target_semaphore(%run_scoped3A : memref<!tpu.dma_semaphore, #tpu.memory_space<semaphore_mem>>)
        %dma_wait3A_40 = arith.constant 0 : i32
        %dma_wait3A_41 = tpu.memref_slice %arg4[%add3A_29, %dma_wait3A_40] : memref<2560x128xi32, #tpu.memory_space<hbm>> -> memref<1x128xi32, #tpu.memory_space<hbm>>
        %dma_wait3A_42 = tpu.memref_squeeze %dma_wait3A_41 : memref<1x128xi32, #tpu.memory_space<hbm>> -> memref<128xi32, #tpu.memory_space<hbm>>
        %dma_wait3A_43 = arith.constant 0 : i32
        %dma_wait3A_44 = tpu.memref_slice %arg4[%add3A_29, %dma_wait3A_43] : memref<2560x128xi32, #tpu.memory_space<hbm>> -> memref<1x128xi32, #tpu.memory_space<hbm>>
        %dma_wait3A_45 = tpu.memref_squeeze %dma_wait3A_44 : memref<1x128xi32, #tpu.memory_space<hbm>> -> memref<128xi32, #tpu.memory_space<hbm>>
        tpu.wait_dma2 semaphore(%run_scoped3A : memref<!tpu.dma_semaphore, #tpu.memory_space<semaphore_mem>>) src(%dma_wait3A_45 : memref<128xi32, #tpu.memory_space<hbm>>) dst(%arg8 : memref<128xi32, #tpu.memory_space<vmem>>)
        tpu.yield
      }) : () -> ()
      %dma_start3A = arith.constant 0 : i32
      %dma_start3A_30 = arith.constant 0 : i32
      %dma_start3A_31 = tpu.memref_slice %arg2[%dma_start3A, %dma_start3A_30] : memref<10000x128xf32, #tpu.memory_space<hbm>> -> memref<10000x128xf32, #tpu.memory_space<hbm>>
      tpu.enqueue_indirect_dma source(%dma_start3A_31 : memref<10000x128xf32, #tpu.memory_space<hbm>>) target(%arg9 : memref<128x128xf32, #tpu.memory_space<vmem>>) offsets(%arg7 : memref<128xi32, #tpu.memory_space<vmem>>) semaphore(%arg11 : memref<!tpu.dma_semaphore, #tpu.memory_space<semaphore_mem>>)
      %dma_wait3A = arith.constant 0 : i32
      %dma_wait3A_32 = arith.constant 0 : i32
      %dma_wait3A_33 = tpu.memref_slice %arg2[%dma_wait3A, %dma_wait3A_32] : memref<10000x128xf32, #tpu.memory_space<hbm>> -> memref<10000x128xf32, #tpu.memory_space<hbm>>
      tpu.wait_indirect_dma semaphore(%arg11 : memref<!tpu.dma_semaphore, #tpu.memory_space<semaphore_mem>>) src(%dma_wait3A_33 : memref<10000x128xf32, #tpu.memory_space<hbm>>) dst(%arg9 : memref<128x128xf32, #tpu.memory_space<vmem>>)
      "tpu.region"() ({
        %run_scoped3A = tpu.sem_alloc : memref<!tpu.dma_semaphore, #tpu.memory_space<semaphore_mem>>
        %dma_start3A_34 = arith.constant 0 : i32
        %dma_start3A_35 = arith.constant 0 : i32
        %dma_start3A_36 = tpu.memref_slice %arg10[%dma_start3A_34, %dma_start3A_35] : memref<10240x128xf32, #tpu.memory_space<vmem_shared>> -> memref<10240x128xf32, #tpu.memory_space<vmem_shared>>
        tpu.enqueue_indirect_dma source(%arg9 : memref<128x128xf32, #tpu.memory_space<vmem>>) target(%dma_start3A_36 : memref<10240x128xf32, #tpu.memory_space<vmem_shared>>) offsets(%arg8 : memref<128xi32, #tpu.memory_space<vmem>>) semaphore(%run_scoped3A : memref<!tpu.dma_semaphore, #tpu.memory_space<semaphore_mem>>) {add = true}
        %dma_wait3A_37 = arith.constant 0 : i32
        %dma_wait3A_38 = arith.constant 0 : i32
        %dma_wait3A_39 = tpu.memref_slice %arg10[%dma_wait3A_37, %dma_wait3A_38] : memref<10240x128xf32, #tpu.memory_space<vmem_shared>> -> memref<10240x128xf32, #tpu.memory_space<vmem_shared>>
        tpu.wait_indirect_dma semaphore(%run_scoped3A : memref<!tpu.dma_semaphore, #tpu.memory_space<semaphore_mem>>) src(%arg9 : memref<128x128xf32, #tpu.memory_space<vmem>>) dst(%dma_wait3A_39 : memref<10240x128xf32, #tpu.memory_space<vmem_shared>>)
        tpu.yield
      }) : () -> ()
    }
    %while3A_20 = arith.constant 1 : i32
    scf.for %while3A_27 = %while3A_18 to %while3A_14 step %while3A_20  : i32 {
      %add3A_28 = arith.addi %select_n3A_11, %while3A_27 : i32
      "tpu.region"() ({
        %run_scoped3A = tpu.sem_alloc : memref<!tpu.dma_semaphore, #tpu.memory_space<semaphore_mem>>
        %dma_start3A_34 = arith.constant 0 : i32
        %dma_start3A_35 = tpu.memref_slice %arg3[%add3A_28, %dma_start3A_34] : memref<2560x128xi32, #tpu.memory_space<hbm>> -> memref<1x128xi32, #tpu.memory_space<hbm>>
        %dma_start3A_36 = tpu.memref_squeeze %dma_start3A_35 : memref<1x128xi32, #tpu.memory_space<hbm>> -> memref<128xi32, #tpu.memory_space<hbm>>
        %dma_start3A_37 = arith.constant 0 : i32
        %dma_start3A_38 = tpu.memref_slice %arg3[%add3A_28, %dma_start3A_37] : memref<2560x128xi32, #tpu.memory_space<hbm>> -> memref<1x128xi32, #tpu.memory_space<hbm>>
        %dma_start3A_39 = tpu.memref_squeeze %dma_start3A_38 : memref<1x128xi32, #tpu.memory_space<hbm>> -> memref<128xi32, #tpu.memory_space<hbm>>
        tpu.enqueue_dma source(%dma_start3A_39 : memref<128xi32, #tpu.memory_space<hbm>>) target(%arg7 : memref<128xi32, #tpu.memory_space<vmem>>) target_semaphore(%run_scoped3A : memref<!tpu.dma_semaphore, #tpu.memory_space<semaphore_mem>>)
        %dma_wait3A_40 = arith.constant 0 : i32
        %dma_wait3A_41 = tpu.memref_slice %arg3[%add3A_28, %dma_wait3A_40] : memref<2560x128xi32, #tpu.memory_space<hbm>> -> memref<1x128xi32, #tpu.memory_space<hbm>>
        %dma_wait3A_42 = tpu.memref_squeeze %dma_wait3A_41 : memref<1x128xi32, #tpu.memory_space<hbm>> -> memref<128xi32, #tpu.memory_space<hbm>>
        %dma_wait3A_43 = arith.constant 0 : i32
        %dma_wait3A_44 = tpu.memref_slice %arg3[%add3A_28, %dma_wait3A_43] : memref<2560x128xi32, #tpu.memory_space<hbm>> -> memref<1x128xi32, #tpu.memory_space<hbm>>
        %dma_wait3A_45 = tpu.memref_squeeze %dma_wait3A_44 : memref<1x128xi32, #tpu.memory_space<hbm>> -> memref<128xi32, #tpu.memory_space<hbm>>
        tpu.wait_dma2 semaphore(%run_scoped3A : memref<!tpu.dma_semaphore, #tpu.memory_space<semaphore_mem>>) src(%dma_wait3A_45 : memref<128xi32, #tpu.memory_space<hbm>>) dst(%arg7 : memref<128xi32, #tpu.memory_space<vmem>>)
        tpu.yield
      }) : () -> ()
      %add3A_29 = arith.addi %select_n3A_11, %while3A_27 : i32
      "tpu.region"() ({
        %run_scoped3A = tpu.sem_alloc : memref<!tpu.dma_semaphore, #tpu.memory_space<semaphore_mem>>
        %dma_start3A_34 = arith.constant 0 : i32
        %dma_start3A_35 = tpu.memref_slice %arg4[%add3A_29, %dma_start3A_34] : memref<2560x128xi32, #tpu.memory_space<hbm>> -> memref<1x128xi32, #tpu.memory_space<hbm>>
        %dma_start3A_36 = tpu.memref_squeeze %dma_start3A_35 : memref<1x128xi32, #tpu.memory_space<hbm>> -> memref<128xi32, #tpu.memory_space<hbm>>
        %dma_start3A_37 = arith.constant 0 : i32
        %dma_start3A_38 = tpu.memref_slice %arg4[%add3A_29, %dma_start3A_37] : memref<2560x128xi32, #tpu.memory_space<hbm>> -> memref<1x128xi32, #tpu.memory_space<hbm>>
        %dma_start3A_39 = tpu.memref_squeeze %dma_start3A_38 : memref<1x128xi32, #tpu.memory_space<hbm>> -> memref<128xi32, #tpu.memory_space<hbm>>
        tpu.enqueue_dma source(%dma_start3A_39 : memref<128xi32, #tpu.memory_space<hbm>>) target(%arg8 : memref<128xi32, #tpu.memory_space<vmem>>) target_semaphore(%run_scoped3A : memref<!tpu.dma_semaphore, #tpu.memory_space<semaphore_mem>>)
        %dma_wait3A_40 = arith.constant 0 : i32
        %dma_wait3A_41 = tpu.memref_slice %arg4[%add3A_29, %dma_wait3A_40] : memref<2560x128xi32, #tpu.memory_space<hbm>> -> memref<1x128xi32, #tpu.memory_space<hbm>>
        %dma_wait3A_42 = tpu.memref_squeeze %dma_wait3A_41 : memref<1x128xi32, #tpu.memory_space<hbm>> -> memref<128xi32, #tpu.memory_space<hbm>>
        %dma_wait3A_43 = arith.constant 0 : i32
        %dma_wait3A_44 = tpu.memref_slice %arg4[%add3A_29, %dma_wait3A_43] : memref<2560x128xi32, #tpu.memory_space<hbm>> -> memref<1x128xi32, #tpu.memory_space<hbm>>
        %dma_wait3A_45 = tpu.memref_squeeze %dma_wait3A_44 : memref<1x128xi32, #tpu.memory_space<hbm>> -> memref<128xi32, #tpu.memory_space<hbm>>
        tpu.wait_dma2 semaphore(%run_scoped3A : memref<!tpu.dma_semaphore, #tpu.memory_space<semaphore_mem>>) src(%dma_wait3A_45 : memref<128xi32, #tpu.memory_space<hbm>>) dst(%arg8 : memref<128xi32, #tpu.memory_space<vmem>>)
        tpu.yield
      }) : () -> ()
      %dma_start3A = arith.constant 0 : i32
      %dma_start3A_30 = arith.constant 0 : i32
      %dma_start3A_31 = tpu.memref_slice %arg2[%dma_start3A, %dma_start3A_30] : memref<10000x128xf32, #tpu.memory_space<hbm>> -> memref<10000x128xf32, #tpu.memory_space<hbm>>
      tpu.enqueue_indirect_dma source(%dma_start3A_31 : memref<10000x128xf32, #tpu.memory_space<hbm>>) target(%arg9 : memref<128x128xf32, #tpu.memory_space<vmem>>) offsets(%arg7 : memref<128xi32, #tpu.memory_space<vmem>>) semaphore(%arg11 : memref<!tpu.dma_semaphore, #tpu.memory_space<semaphore_mem>>)
      %dma_wait3A = arith.constant 0 : i32
      %dma_wait3A_32 = arith.constant 0 : i32
      %dma_wait3A_33 = tpu.memref_slice %arg2[%dma_wait3A, %dma_wait3A_32] : memref<10000x128xf32, #tpu.memory_space<hbm>> -> memref<10000x128xf32, #tpu.memory_space<hbm>>
      tpu.wait_indirect_dma semaphore(%arg11 : memref<!tpu.dma_semaphore, #tpu.memory_space<semaphore_mem>>) src(%dma_wait3A_33 : memref<10000x128xf32, #tpu.memory_space<hbm>>) dst(%arg9 : memref<128x128xf32, #tpu.memory_space<vmem>>)
      "tpu.region"() ({
        %run_scoped3A = tpu.sem_alloc : memref<!tpu.dma_semaphore, #tpu.memory_space<semaphore_mem>>
        %dma_start3A_34 = arith.constant 0 : i32
        %dma_start3A_35 = arith.constant 0 : i32
        %dma_start3A_36 = tpu.memref_slice %arg10[%dma_start3A_34, %dma_start3A_35] : memref<10240x128xf32, #tpu.memory_space<vmem_shared>> -> memref<10240x128xf32, #tpu.memory_space<vmem_shared>>
        tpu.enqueue_indirect_dma source(%arg9 : memref<128x128xf32, #tpu.memory_space<vmem>>) target(%dma_start3A_36 : memref<10240x128xf32, #tpu.memory_space<vmem_shared>>) offsets(%arg8 : memref<128xi32, #tpu.memory_space<vmem>>) semaphore(%run_scoped3A : memref<!tpu.dma_semaphore, #tpu.memory_space<semaphore_mem>>) {add = true}
        %dma_wait3A_37 = arith.constant 0 : i32
        %dma_wait3A_38 = arith.constant 0 : i32
        %dma_wait3A_39 = tpu.memref_slice %arg10[%dma_wait3A_37, %dma_wait3A_38] : memref<10240x128xf32, #tpu.memory_space<vmem_shared>> -> memref<10240x128xf32, #tpu.memory_space<vmem_shared>>
        tpu.wait_indirect_dma semaphore(%run_scoped3A : memref<!tpu.dma_semaphore, #tpu.memory_space<semaphore_mem>>) src(%arg9 : memref<128x128xf32, #tpu.memory_space<vmem>>) dst(%dma_wait3A_39 : memref<10240x128xf32, #tpu.memory_space<vmem_shared>>)
        tpu.yield
      }) : () -> ()
    }
    %barrier3A_21 = arith.constant 0 : index
    tpu.barrier barrier_id(%barrier3A_21)
    %scan3A = arith.constant 0 : i32
    %scan3A_22 = arith.constant 0 : i32
    %scan3A_23 = arith.constant 5 : i32
    %scan3A_24 = arith.addi %scan3A_22, %scan3A_23 : i32
    %scan3A_25 = arith.constant 1 : i32
    scf.for %scan3A_27 = %scan3A_22 to %scan3A_24 step %scan3A_25  : i32 {
      %mul3A_28 = arith.constant 128 : i32
      %mul3A_29 = arith.muli %scan3A_27, %mul3A_28 : i32
      %add3A_30 = arith.addi %mul3A_0, %mul3A_29 : i32
      "tpu.region"() ({
        %run_scoped3A = tpu.sem_alloc : memref<!tpu.dma_semaphore, #tpu.memory_space<semaphore_mem>>
        %dma_start3A = arith.constant 0 : i32
        %dma_start3A_34 = tpu.memref_slice %arg10[%add3A_30, %dma_start3A] : memref<10240x128xf32, #tpu.memory_space<vmem_shared>> -> memref<128x128xf32, #tpu.memory_space<vmem_shared>>
        %dma_start3A_35 = arith.constant 0 : i32
        %dma_start3A_36 = tpu.memref_slice %arg10[%add3A_30, %dma_start3A_35] : memref<10240x128xf32, #tpu.memory_space<vmem_shared>> -> memref<128x128xf32, #tpu.memory_space<vmem_shared>>
        tpu.enqueue_dma source(%dma_start3A_36 : memref<128x128xf32, #tpu.memory_space<vmem_shared>>) target(%arg9 : memref<128x128xf32, #tpu.memory_space<vmem>>) target_semaphore(%run_scoped3A : memref<!tpu.dma_semaphore, #tpu.memory_space<semaphore_mem>>)
        %dma_wait3A = arith.constant 0 : i32
        %dma_wait3A_37 = tpu.memref_slice %arg10[%add3A_30, %dma_wait3A] : memref<10240x128xf32, #tpu.memory_space<vmem_shared>> -> memref<128x128xf32, #tpu.memory_space<vmem_shared>>
        %dma_wait3A_38 = arith.constant 0 : i32
        %dma_wait3A_39 = tpu.memref_slice %arg10[%add3A_30, %dma_wait3A_38] : memref<10240x128xf32, #tpu.memory_space<vmem_shared>> -> memref<128x128xf32, #tpu.memory_space<vmem_shared>>
        tpu.wait_dma2 semaphore(%run_scoped3A : memref<!tpu.dma_semaphore, #tpu.memory_space<semaphore_mem>>) src(%dma_wait3A_39 : memref<128x128xf32, #tpu.memory_space<vmem_shared>>) dst(%arg9 : memref<128x128xf32, #tpu.memory_space<vmem>>)
        tpu.yield
      }) : () -> ()
      %mul3A_31 = arith.constant 10240 : i32
      %mul3A_32 = arith.muli %arg0, %mul3A_31 : i32
      %add3A_33 = arith.addi %mul3A_32, %add3A_30 : i32
      "tpu.region"() ({
        %run_scoped3A = tpu.sem_alloc : memref<!tpu.dma_semaphore, #tpu.memory_space<semaphore_mem>>
        %dma_start3A = arith.constant 0 : i32
        %dma_start3A_34 = tpu.memref_slice %arg6[%add3A_33, %dma_start3A] : memref<20480x128xf32, #tpu.memory_space<hbm>> -> memref<128x128xf32, #tpu.memory_space<hbm>>
        %dma_start3A_35 = arith.constant 0 : i32
        %dma_start3A_36 = tpu.memref_slice %arg6[%add3A_33, %dma_start3A_35] : memref<20480x128xf32, #tpu.memory_space<hbm>> -> memref<128x128xf32, #tpu.memory_space<hbm>>
        tpu.enqueue_dma source(%arg9 : memref<128x128xf32, #tpu.memory_space<vmem>>) target(%dma_start3A_36 : memref<128x128xf32, #tpu.memory_space<hbm>>) target_semaphore(%run_scoped3A : memref<!tpu.dma_semaphore, #tpu.memory_space<semaphore_mem>>)
        %dma_wait3A = arith.constant 0 : i32
        %dma_wait3A_37 = tpu.memref_slice %arg6[%add3A_33, %dma_wait3A] : memref<20480x128xf32, #tpu.memory_space<hbm>> -> memref<128x128xf32, #tpu.memory_space<hbm>>
        %dma_wait3A_38 = arith.constant 0 : i32
        %dma_wait3A_39 = tpu.memref_slice %arg6[%add3A_33, %dma_wait3A_38] : memref<20480x128xf32, #tpu.memory_space<hbm>> -> memref<128x128xf32, #tpu.memory_space<hbm>>
        tpu.wait_dma2 semaphore(%run_scoped3A : memref<!tpu.dma_semaphore, #tpu.memory_space<semaphore_mem>>) src(%arg9 : memref<128x128xf32, #tpu.memory_space<vmem>>) dst(%dma_wait3A_39 : memref<128x128xf32, #tpu.memory_space<hbm>>)
        tpu.yield
      }) : () -> ()
    }
    %scan3A_26 = arith.constant 5 : i32
    return
  }
}

#map = affine_map<(d0, d1) -> (0, 0)>
module attributes {stable_mosaic.version = 14 : i64} {
  func.func @k(%arg0: i32, %arg1: i32, %arg2: memref<128x128xf32, #tpu.memory_space<hbm>>, %arg3: memref<2560x128xi32, #tpu.memory_space<hbm>>, %arg4: memref<2560x128xi32, #tpu.memory_space<hbm>>, %arg5: memref<10240x128xf32, #tpu.memory_space<hbm>>, %arg6: memref<20480x128xf32, #tpu.memory_space<hbm>>, %arg7: memref<128xi32, #tpu.memory_space<vmem>>, %arg8: memref<128xi32, #tpu.memory_space<vmem>>, %arg9: memref<128x128xf32, #tpu.memory_space<vmem>>, %arg10: memref<10240x128xf32, #tpu.memory_space<vmem_shared>>, %arg11: memref<!tpu.dma_semaphore, #tpu.memory_space<semaphore_mem>>) attributes {dimension_semantics = [#tpu.dimension_semantics<core_parallel>, #tpu.dimension_semantics<subcore_parallel>], iteration_bounds = array<i64: 2, 16>, scalar_prefetch = 0 : i64, scratch_operands = 5 : i64, tpu.core_type = #tpu.core_type<sc_vector_subcore>, window_params = [{transform_indices = #map}, {transform_indices = #map}, {transform_indices = #map}, {transform_indices = #map}, {transform_indices = #map}]} {
    %mul3A = arith.constant 640 : i32
    %mul3A_0 = arith.muli %arg1, %mul3A : i32
    %eq3A = arith.constant 0 : i32
    %eq3A_1 = arith.cmpi eq, %arg0, %eq3A : i32
    %select_n3A = arith.constant 98 : i32
    %select_n3A_2 = arith.constant 62 : i32
    %select_n3A_3 = arith.select %eq3A_1, %select_n3A_2, %select_n3A : i32
    %eq3A_4 = arith.constant 0 : i32
    %eq3A_5 = arith.cmpi eq, %arg0, %eq3A_4 : i32
    %mul3A_6 = arith.constant 62 : i32
    %mul3A_7 = arith.muli %arg1, %mul3A_6 : i32
    %mul3A_8 = arith.constant 98 : i32
    %mul3A_9 = arith.muli %arg1, %mul3A_8 : i32
    %add3A = arith.constant 992 : i32
    %add3A_10 = arith.addi %add3A, %mul3A_9 : i32
    %select_n3A_11 = arith.select %eq3A_5, %mul3A_7, %add3A_10 : i32
    "tpu.region"() ({
      %run_scoped3A = tpu.sem_alloc : memref<!tpu.dma_semaphore, #tpu.memory_space<semaphore_mem>>
      %dma_start3A = arith.constant 0 : i32
      %dma_start3A_27 = tpu.memref_slice %arg10[%mul3A_0, %dma_start3A] : memref<10240x128xf32, #tpu.memory_space<vmem_shared>> -> memref<640x128xf32, #tpu.memory_space<vmem_shared>>
      %dma_start3A_28 = arith.constant 0 : i32
      %dma_start3A_29 = tpu.memref_slice %arg5[%mul3A_0, %dma_start3A_28] : memref<10240x128xf32, #tpu.memory_space<hbm>> -> memref<640x128xf32, #tpu.memory_space<hbm>>
      tpu.enqueue_dma source(%dma_start3A_29 : memref<640x128xf32, #tpu.memory_space<hbm>>) target(%dma_start3A_27 : memref<640x128xf32, #tpu.memory_space<vmem_shared>>) target_semaphore(%run_scoped3A : memref<!tpu.dma_semaphore, #tpu.memory_space<semaphore_mem>>)
      %dma_wait3A = arith.constant 0 : i32
      %dma_wait3A_30 = tpu.memref_slice %arg10[%mul3A_0, %dma_wait3A] : memref<10240x128xf32, #tpu.memory_space<vmem_shared>> -> memref<640x128xf32, #tpu.memory_space<vmem_shared>>
      %dma_wait3A_31 = arith.constant 0 : i32
      %dma_wait3A_32 = tpu.memref_slice %arg5[%mul3A_0, %dma_wait3A_31] : memref<10240x128xf32, #tpu.memory_space<hbm>> -> memref<640x128xf32, #tpu.memory_space<hbm>>
      tpu.wait_dma2 semaphore(%run_scoped3A : memref<!tpu.dma_semaphore, #tpu.memory_space<semaphore_mem>>) src(%dma_wait3A_32 : memref<640x128xf32, #tpu.memory_space<hbm>>) dst(%dma_wait3A_30 : memref<640x128xf32, #tpu.memory_space<vmem_shared>>)
      tpu.yield
    }) : () -> ()
    "tpu.region"() ({
      %run_scoped3A = tpu.sem_alloc : memref<!tpu.dma_semaphore, #tpu.memory_space<semaphore_mem>>
      %dma_start3A = arith.constant 0 : i32
      %dma_start3A_27 = arith.constant 0 : i32
      %dma_start3A_28 = tpu.memref_slice %arg2[%dma_start3A, %dma_start3A_27] : memref<128x128xf32, #tpu.memory_space<hbm>> -> memref<128x128xf32, #tpu.memory_space<hbm>>
      %dma_start3A_29 = arith.constant 0 : i32
      %dma_start3A_30 = arith.constant 0 : i32
      %dma_start3A_31 = tpu.memref_slice %arg2[%dma_start3A_29, %dma_start3A_30] : memref<128x128xf32, #tpu.memory_space<hbm>> -> memref<128x128xf32, #tpu.memory_space<hbm>>
      tpu.enqueue_dma source(%dma_start3A_31 : memref<128x128xf32, #tpu.memory_space<hbm>>) target(%arg9 : memref<128x128xf32, #tpu.memory_space<vmem>>) target_semaphore(%run_scoped3A : memref<!tpu.dma_semaphore, #tpu.memory_space<semaphore_mem>>)
      %dma_wait3A = arith.constant 0 : i32
      %dma_wait3A_32 = arith.constant 0 : i32
      %dma_wait3A_33 = tpu.memref_slice %arg2[%dma_wait3A, %dma_wait3A_32] : memref<128x128xf32, #tpu.memory_space<hbm>> -> memref<128x128xf32, #tpu.memory_space<hbm>>
      %dma_wait3A_34 = arith.constant 0 : i32
      %dma_wait3A_35 = arith.constant 0 : i32
      %dma_wait3A_36 = tpu.memref_slice %arg2[%dma_wait3A_34, %dma_wait3A_35] : memref<128x128xf32, #tpu.memory_space<hbm>> -> memref<128x128xf32, #tpu.memory_space<hbm>>
      tpu.wait_dma2 semaphore(%run_scoped3A : memref<!tpu.dma_semaphore, #tpu.memory_space<semaphore_mem>>) src(%dma_wait3A_36 : memref<128x128xf32, #tpu.memory_space<hbm>>) dst(%arg9 : memref<128x128xf32, #tpu.memory_space<vmem>>)
      tpu.yield
    }) : () -> ()
    %barrier3A = arith.constant 0 : index
    tpu.barrier barrier_id(%barrier3A)
    %while3A = arith.constant 0 : i32
    %while3A_12 = arith.constant 0 : i32
    %while3A_13 = arith.subi %select_n3A_3, %while3A_12 : i32
    %while3A_14 = arith.addi %while3A_12, %while3A_13 : i32
    %while3A_15 = arith.constant 1 : i32
    %while3A_16 = arith.divsi %while3A_13, %while3A_15 : i32
    %while3A_17 = arith.muli %while3A_16, %while3A_15 : i32
    %while3A_18 = arith.addi %while3A_12, %while3A_17 : i32
    %while3A_19 = arith.constant 1 : i32
    scf.for %while3A_27 = %while3A_12 to %while3A_18 step %while3A_19  : i32 {
      %add3A_28 = arith.addi %select_n3A_11, %while3A_27 : i32
      "tpu.region"() ({
        %run_scoped3A = tpu.sem_alloc : memref<!tpu.dma_semaphore, #tpu.memory_space<semaphore_mem>>
        %dma_start3A = arith.constant 0 : i32
        %dma_start3A_29 = tpu.memref_slice %arg4[%add3A_28, %dma_start3A] : memref<2560x128xi32, #tpu.memory_space<hbm>> -> memref<1x128xi32, #tpu.memory_space<hbm>>
        %dma_start3A_30 = tpu.memref_squeeze %dma_start3A_29 : memref<1x128xi32, #tpu.memory_space<hbm>> -> memref<128xi32, #tpu.memory_space<hbm>>
        %dma_start3A_31 = arith.constant 0 : i32
        %dma_start3A_32 = tpu.memref_slice %arg4[%add3A_28, %dma_start3A_31] : memref<2560x128xi32, #tpu.memory_space<hbm>> -> memref<1x128xi32, #tpu.memory_space<hbm>>
        %dma_start3A_33 = tpu.memref_squeeze %dma_start3A_32 : memref<1x128xi32, #tpu.memory_space<hbm>> -> memref<128xi32, #tpu.memory_space<hbm>>
        tpu.enqueue_dma source(%dma_start3A_33 : memref<128xi32, #tpu.memory_space<hbm>>) target(%arg8 : memref<128xi32, #tpu.memory_space<vmem>>) target_semaphore(%run_scoped3A : memref<!tpu.dma_semaphore, #tpu.memory_space<semaphore_mem>>)
        %dma_wait3A = arith.constant 0 : i32
        %dma_wait3A_34 = tpu.memref_slice %arg4[%add3A_28, %dma_wait3A] : memref<2560x128xi32, #tpu.memory_space<hbm>> -> memref<1x128xi32, #tpu.memory_space<hbm>>
        %dma_wait3A_35 = tpu.memref_squeeze %dma_wait3A_34 : memref<1x128xi32, #tpu.memory_space<hbm>> -> memref<128xi32, #tpu.memory_space<hbm>>
        %dma_wait3A_36 = arith.constant 0 : i32
        %dma_wait3A_37 = tpu.memref_slice %arg4[%add3A_28, %dma_wait3A_36] : memref<2560x128xi32, #tpu.memory_space<hbm>> -> memref<1x128xi32, #tpu.memory_space<hbm>>
        %dma_wait3A_38 = tpu.memref_squeeze %dma_wait3A_37 : memref<1x128xi32, #tpu.memory_space<hbm>> -> memref<128xi32, #tpu.memory_space<hbm>>
        tpu.wait_dma2 semaphore(%run_scoped3A : memref<!tpu.dma_semaphore, #tpu.memory_space<semaphore_mem>>) src(%dma_wait3A_38 : memref<128xi32, #tpu.memory_space<hbm>>) dst(%arg8 : memref<128xi32, #tpu.memory_space<vmem>>)
        tpu.yield
      }) : () -> ()
      "tpu.region"() ({
        %run_scoped3A = tpu.sem_alloc : memref<!tpu.dma_semaphore, #tpu.memory_space<semaphore_mem>>
        %dma_start3A = arith.constant 0 : i32
        %dma_start3A_29 = arith.constant 0 : i32
        %dma_start3A_30 = tpu.memref_slice %arg10[%dma_start3A, %dma_start3A_29] : memref<10240x128xf32, #tpu.memory_space<vmem_shared>> -> memref<10240x128xf32, #tpu.memory_space<vmem_shared>>
        tpu.enqueue_indirect_dma source(%arg9 : memref<128x128xf32, #tpu.memory_space<vmem>>) target(%dma_start3A_30 : memref<10240x128xf32, #tpu.memory_space<vmem_shared>>) offsets(%arg8 : memref<128xi32, #tpu.memory_space<vmem>>) semaphore(%run_scoped3A : memref<!tpu.dma_semaphore, #tpu.memory_space<semaphore_mem>>) {add = true}
        %dma_wait3A = arith.constant 0 : i32
        %dma_wait3A_31 = arith.constant 0 : i32
        %dma_wait3A_32 = tpu.memref_slice %arg10[%dma_wait3A, %dma_wait3A_31] : memref<10240x128xf32, #tpu.memory_space<vmem_shared>> -> memref<10240x128xf32, #tpu.memory_space<vmem_shared>>
        tpu.wait_indirect_dma semaphore(%run_scoped3A : memref<!tpu.dma_semaphore, #tpu.memory_space<semaphore_mem>>) src(%arg9 : memref<128x128xf32, #tpu.memory_space<vmem>>) dst(%dma_wait3A_32 : memref<10240x128xf32, #tpu.memory_space<vmem_shared>>)
        tpu.yield
      }) : () -> ()
    }
    %while3A_20 = arith.constant 1 : i32
    scf.for %while3A_27 = %while3A_18 to %while3A_14 step %while3A_20  : i32 {
      %add3A_28 = arith.addi %select_n3A_11, %while3A_27 : i32
      "tpu.region"() ({
        %run_scoped3A = tpu.sem_alloc : memref<!tpu.dma_semaphore, #tpu.memory_space<semaphore_mem>>
        %dma_start3A = arith.constant 0 : i32
        %dma_start3A_29 = tpu.memref_slice %arg4[%add3A_28, %dma_start3A] : memref<2560x128xi32, #tpu.memory_space<hbm>> -> memref<1x128xi32, #tpu.memory_space<hbm>>
        %dma_start3A_30 = tpu.memref_squeeze %dma_start3A_29 : memref<1x128xi32, #tpu.memory_space<hbm>> -> memref<128xi32, #tpu.memory_space<hbm>>
        %dma_start3A_31 = arith.constant 0 : i32
        %dma_start3A_32 = tpu.memref_slice %arg4[%add3A_28, %dma_start3A_31] : memref<2560x128xi32, #tpu.memory_space<hbm>> -> memref<1x128xi32, #tpu.memory_space<hbm>>
        %dma_start3A_33 = tpu.memref_squeeze %dma_start3A_32 : memref<1x128xi32, #tpu.memory_space<hbm>> -> memref<128xi32, #tpu.memory_space<hbm>>
        tpu.enqueue_dma source(%dma_start3A_33 : memref<128xi32, #tpu.memory_space<hbm>>) target(%arg8 : memref<128xi32, #tpu.memory_space<vmem>>) target_semaphore(%run_scoped3A : memref<!tpu.dma_semaphore, #tpu.memory_space<semaphore_mem>>)
        %dma_wait3A = arith.constant 0 : i32
        %dma_wait3A_34 = tpu.memref_slice %arg4[%add3A_28, %dma_wait3A] : memref<2560x128xi32, #tpu.memory_space<hbm>> -> memref<1x128xi32, #tpu.memory_space<hbm>>
        %dma_wait3A_35 = tpu.memref_squeeze %dma_wait3A_34 : memref<1x128xi32, #tpu.memory_space<hbm>> -> memref<128xi32, #tpu.memory_space<hbm>>
        %dma_wait3A_36 = arith.constant 0 : i32
        %dma_wait3A_37 = tpu.memref_slice %arg4[%add3A_28, %dma_wait3A_36] : memref<2560x128xi32, #tpu.memory_space<hbm>> -> memref<1x128xi32, #tpu.memory_space<hbm>>
        %dma_wait3A_38 = tpu.memref_squeeze %dma_wait3A_37 : memref<1x128xi32, #tpu.memory_space<hbm>> -> memref<128xi32, #tpu.memory_space<hbm>>
        tpu.wait_dma2 semaphore(%run_scoped3A : memref<!tpu.dma_semaphore, #tpu.memory_space<semaphore_mem>>) src(%dma_wait3A_38 : memref<128xi32, #tpu.memory_space<hbm>>) dst(%arg8 : memref<128xi32, #tpu.memory_space<vmem>>)
        tpu.yield
      }) : () -> ()
      "tpu.region"() ({
        %run_scoped3A = tpu.sem_alloc : memref<!tpu.dma_semaphore, #tpu.memory_space<semaphore_mem>>
        %dma_start3A = arith.constant 0 : i32
        %dma_start3A_29 = arith.constant 0 : i32
        %dma_start3A_30 = tpu.memref_slice %arg10[%dma_start3A, %dma_start3A_29] : memref<10240x128xf32, #tpu.memory_space<vmem_shared>> -> memref<10240x128xf32, #tpu.memory_space<vmem_shared>>
        tpu.enqueue_indirect_dma source(%arg9 : memref<128x128xf32, #tpu.memory_space<vmem>>) target(%dma_start3A_30 : memref<10240x128xf32, #tpu.memory_space<vmem_shared>>) offsets(%arg8 : memref<128xi32, #tpu.memory_space<vmem>>) semaphore(%run_scoped3A : memref<!tpu.dma_semaphore, #tpu.memory_space<semaphore_mem>>) {add = true}
        %dma_wait3A = arith.constant 0 : i32
        %dma_wait3A_31 = arith.constant 0 : i32
        %dma_wait3A_32 = tpu.memref_slice %arg10[%dma_wait3A, %dma_wait3A_31] : memref<10240x128xf32, #tpu.memory_space<vmem_shared>> -> memref<10240x128xf32, #tpu.memory_space<vmem_shared>>
        tpu.wait_indirect_dma semaphore(%run_scoped3A : memref<!tpu.dma_semaphore, #tpu.memory_space<semaphore_mem>>) src(%arg9 : memref<128x128xf32, #tpu.memory_space<vmem>>) dst(%dma_wait3A_32 : memref<10240x128xf32, #tpu.memory_space<vmem_shared>>)
        tpu.yield
      }) : () -> ()
    }
    %barrier3A_21 = arith.constant 0 : index
    tpu.barrier barrier_id(%barrier3A_21)
    %scan3A = arith.constant 0 : i32
    %scan3A_22 = arith.constant 0 : i32
    %scan3A_23 = arith.constant 5 : i32
    %scan3A_24 = arith.addi %scan3A_22, %scan3A_23 : i32
    %scan3A_25 = arith.constant 1 : i32
    scf.for %scan3A_27 = %scan3A_22 to %scan3A_24 step %scan3A_25  : i32 {
      %mul3A_28 = arith.constant 128 : i32
      %mul3A_29 = arith.muli %scan3A_27, %mul3A_28 : i32
      %add3A_30 = arith.addi %mul3A_0, %mul3A_29 : i32
      "tpu.region"() ({
        %run_scoped3A = tpu.sem_alloc : memref<!tpu.dma_semaphore, #tpu.memory_space<semaphore_mem>>
        %dma_start3A = arith.constant 0 : i32
        %dma_start3A_34 = tpu.memref_slice %arg10[%add3A_30, %dma_start3A] : memref<10240x128xf32, #tpu.memory_space<vmem_shared>> -> memref<128x128xf32, #tpu.memory_space<vmem_shared>>
        %dma_start3A_35 = arith.constant 0 : i32
        %dma_start3A_36 = tpu.memref_slice %arg10[%add3A_30, %dma_start3A_35] : memref<10240x128xf32, #tpu.memory_space<vmem_shared>> -> memref<128x128xf32, #tpu.memory_space<vmem_shared>>
        tpu.enqueue_dma source(%dma_start3A_36 : memref<128x128xf32, #tpu.memory_space<vmem_shared>>) target(%arg9 : memref<128x128xf32, #tpu.memory_space<vmem>>) target_semaphore(%run_scoped3A : memref<!tpu.dma_semaphore, #tpu.memory_space<semaphore_mem>>)
        %dma_wait3A = arith.constant 0 : i32
        %dma_wait3A_37 = tpu.memref_slice %arg10[%add3A_30, %dma_wait3A] : memref<10240x128xf32, #tpu.memory_space<vmem_shared>> -> memref<128x128xf32, #tpu.memory_space<vmem_shared>>
        %dma_wait3A_38 = arith.constant 0 : i32
        %dma_wait3A_39 = tpu.memref_slice %arg10[%add3A_30, %dma_wait3A_38] : memref<10240x128xf32, #tpu.memory_space<vmem_shared>> -> memref<128x128xf32, #tpu.memory_space<vmem_shared>>
        tpu.wait_dma2 semaphore(%run_scoped3A : memref<!tpu.dma_semaphore, #tpu.memory_space<semaphore_mem>>) src(%dma_wait3A_39 : memref<128x128xf32, #tpu.memory_space<vmem_shared>>) dst(%arg9 : memref<128x128xf32, #tpu.memory_space<vmem>>)
        tpu.yield
      }) : () -> ()
      %mul3A_31 = arith.constant 10240 : i32
      %mul3A_32 = arith.muli %arg0, %mul3A_31 : i32
      %add3A_33 = arith.addi %mul3A_32, %add3A_30 : i32
      "tpu.region"() ({
        %run_scoped3A = tpu.sem_alloc : memref<!tpu.dma_semaphore, #tpu.memory_space<semaphore_mem>>
        %dma_start3A = arith.constant 0 : i32
        %dma_start3A_34 = tpu.memref_slice %arg6[%add3A_33, %dma_start3A] : memref<20480x128xf32, #tpu.memory_space<hbm>> -> memref<128x128xf32, #tpu.memory_space<hbm>>
        %dma_start3A_35 = arith.constant 0 : i32
        %dma_start3A_36 = tpu.memref_slice %arg6[%add3A_33, %dma_start3A_35] : memref<20480x128xf32, #tpu.memory_space<hbm>> -> memref<128x128xf32, #tpu.memory_space<hbm>>
        tpu.enqueue_dma source(%arg9 : memref<128x128xf32, #tpu.memory_space<vmem>>) target(%dma_start3A_36 : memref<128x128xf32, #tpu.memory_space<hbm>>) target_semaphore(%run_scoped3A : memref<!tpu.dma_semaphore, #tpu.memory_space<semaphore_mem>>)
        %dma_wait3A = arith.constant 0 : i32
        %dma_wait3A_37 = tpu.memref_slice %arg6[%add3A_33, %dma_wait3A] : memref<20480x128xf32, #tpu.memory_space<hbm>> -> memref<128x128xf32, #tpu.memory_space<hbm>>
        %dma_wait3A_38 = arith.constant 0 : i32
        %dma_wait3A_39 = tpu.memref_slice %arg6[%add3A_33, %dma_wait3A_38] : memref<20480x128xf32, #tpu.memory_space<hbm>> -> memref<128x128xf32, #tpu.memory_space<hbm>>
        tpu.wait_dma2 semaphore(%run_scoped3A : memref<!tpu.dma_semaphore, #tpu.memory_space<semaphore_mem>>) src(%arg9 : memref<128x128xf32, #tpu.memory_space<vmem>>) dst(%dma_wait3A_39 : memref<128x128xf32, #tpu.memory_space<hbm>>)
        tpu.yield
      }) : () -> ()
    }
    %scan3A_26 = arith.constant 5 : i32
    return
  }
}

#map = affine_map<(d0, d1) -> (0, 0)>
module attributes {stable_mosaic.version = 14 : i64} {
  func.func @k(%arg0: i32, %arg1: i32, %arg2: memref<10000x128xf32, #tpu.memory_space<hbm>>, %arg3: memref<2560x128xi32, #tpu.memory_space<hbm>>, %arg4: memref<2560x128xi32, #tpu.memory_space<hbm>>, %arg5: memref<10240x128xf32, #tpu.memory_space<hbm>>, %arg6: memref<20480x128xf32, #tpu.memory_space<hbm>>, %arg7: memref<128xi32, #tpu.memory_space<vmem>>, %arg8: memref<128xi32, #tpu.memory_space<vmem>>, %arg9: memref<128x128xf32, #tpu.memory_space<vmem>>, %arg10: memref<10240x128xf32, #tpu.memory_space<vmem_shared>>, %arg11: memref<!tpu.dma_semaphore, #tpu.memory_space<semaphore_mem>>) attributes {dimension_semantics = [#tpu.dimension_semantics<core_parallel>, #tpu.dimension_semantics<subcore_parallel>], iteration_bounds = array<i64: 2, 16>, scalar_prefetch = 0 : i64, scratch_operands = 5 : i64, tpu.core_type = #tpu.core_type<sc_vector_subcore>, window_params = [{transform_indices = #map}, {transform_indices = #map}, {transform_indices = #map}, {transform_indices = #map}, {transform_indices = #map}]} {
    %mul3A = arith.constant 640 : i32
    %mul3A_0 = arith.muli %arg1, %mul3A : i32
    %eq3A = arith.constant 0 : i32
    %eq3A_1 = arith.cmpi eq, %arg0, %eq3A : i32
    %select_n3A = arith.constant 98 : i32
    %select_n3A_2 = arith.constant 62 : i32
    %select_n3A_3 = arith.select %eq3A_1, %select_n3A_2, %select_n3A : i32
    %eq3A_4 = arith.constant 0 : i32
    %eq3A_5 = arith.cmpi eq, %arg0, %eq3A_4 : i32
    %mul3A_6 = arith.constant 62 : i32
    %mul3A_7 = arith.muli %arg1, %mul3A_6 : i32
    %mul3A_8 = arith.constant 98 : i32
    %mul3A_9 = arith.muli %arg1, %mul3A_8 : i32
    %add3A = arith.constant 992 : i32
    %add3A_10 = arith.addi %add3A, %mul3A_9 : i32
    %select_n3A_11 = arith.select %eq3A_5, %mul3A_7, %add3A_10 : i32
    "tpu.region"() ({
      %run_scoped3A = tpu.sem_alloc : memref<!tpu.dma_semaphore, #tpu.memory_space<semaphore_mem>>
      %dma_start3A = arith.constant 0 : i32
      %dma_start3A_27 = tpu.memref_slice %arg10[%mul3A_0, %dma_start3A] : memref<10240x128xf32, #tpu.memory_space<vmem_shared>> -> memref<640x128xf32, #tpu.memory_space<vmem_shared>>
      %dma_start3A_28 = arith.constant 0 : i32
      %dma_start3A_29 = tpu.memref_slice %arg5[%mul3A_0, %dma_start3A_28] : memref<10240x128xf32, #tpu.memory_space<hbm>> -> memref<640x128xf32, #tpu.memory_space<hbm>>
      tpu.enqueue_dma source(%dma_start3A_29 : memref<640x128xf32, #tpu.memory_space<hbm>>) target(%dma_start3A_27 : memref<640x128xf32, #tpu.memory_space<vmem_shared>>) target_semaphore(%run_scoped3A : memref<!tpu.dma_semaphore, #tpu.memory_space<semaphore_mem>>)
      %dma_wait3A = arith.constant 0 : i32
      %dma_wait3A_30 = tpu.memref_slice %arg10[%mul3A_0, %dma_wait3A] : memref<10240x128xf32, #tpu.memory_space<vmem_shared>> -> memref<640x128xf32, #tpu.memory_space<vmem_shared>>
      %dma_wait3A_31 = arith.constant 0 : i32
      %dma_wait3A_32 = tpu.memref_slice %arg5[%mul3A_0, %dma_wait3A_31] : memref<10240x128xf32, #tpu.memory_space<hbm>> -> memref<640x128xf32, #tpu.memory_space<hbm>>
      tpu.wait_dma2 semaphore(%run_scoped3A : memref<!tpu.dma_semaphore, #tpu.memory_space<semaphore_mem>>) src(%dma_wait3A_32 : memref<640x128xf32, #tpu.memory_space<hbm>>) dst(%dma_wait3A_30 : memref<640x128xf32, #tpu.memory_space<vmem_shared>>)
      tpu.yield
    }) : () -> ()
    %barrier3A = arith.constant 0 : index
    tpu.barrier barrier_id(%barrier3A)
    %while3A = arith.constant 0 : i32
    %while3A_12 = arith.constant 0 : i32
    %while3A_13 = arith.subi %select_n3A_3, %while3A_12 : i32
    %while3A_14 = arith.addi %while3A_12, %while3A_13 : i32
    %while3A_15 = arith.constant 1 : i32
    %while3A_16 = arith.divsi %while3A_13, %while3A_15 : i32
    %while3A_17 = arith.muli %while3A_16, %while3A_15 : i32
    %while3A_18 = arith.addi %while3A_12, %while3A_17 : i32
    %while3A_19 = arith.constant 1 : i32
    scf.for %while3A_27 = %while3A_12 to %while3A_18 step %while3A_19  : i32 {
      %add3A_28 = arith.addi %select_n3A_11, %while3A_27 : i32
      "tpu.region"() ({
        %run_scoped3A = tpu.sem_alloc : memref<!tpu.dma_semaphore, #tpu.memory_space<semaphore_mem>>
        %dma_start3A_34 = arith.constant 0 : i32
        %dma_start3A_35 = tpu.memref_slice %arg3[%add3A_28, %dma_start3A_34] : memref<2560x128xi32, #tpu.memory_space<hbm>> -> memref<1x128xi32, #tpu.memory_space<hbm>>
        %dma_start3A_36 = tpu.memref_squeeze %dma_start3A_35 : memref<1x128xi32, #tpu.memory_space<hbm>> -> memref<128xi32, #tpu.memory_space<hbm>>
        %dma_start3A_37 = arith.constant 0 : i32
        %dma_start3A_38 = tpu.memref_slice %arg3[%add3A_28, %dma_start3A_37] : memref<2560x128xi32, #tpu.memory_space<hbm>> -> memref<1x128xi32, #tpu.memory_space<hbm>>
        %dma_start3A_39 = tpu.memref_squeeze %dma_start3A_38 : memref<1x128xi32, #tpu.memory_space<hbm>> -> memref<128xi32, #tpu.memory_space<hbm>>
        tpu.enqueue_dma source(%dma_start3A_39 : memref<128xi32, #tpu.memory_space<hbm>>) target(%arg7 : memref<128xi32, #tpu.memory_space<vmem>>) target_semaphore(%run_scoped3A : memref<!tpu.dma_semaphore, #tpu.memory_space<semaphore_mem>>)
        %dma_wait3A_40 = arith.constant 0 : i32
        %dma_wait3A_41 = tpu.memref_slice %arg3[%add3A_28, %dma_wait3A_40] : memref<2560x128xi32, #tpu.memory_space<hbm>> -> memref<1x128xi32, #tpu.memory_space<hbm>>
        %dma_wait3A_42 = tpu.memref_squeeze %dma_wait3A_41 : memref<1x128xi32, #tpu.memory_space<hbm>> -> memref<128xi32, #tpu.memory_space<hbm>>
        %dma_wait3A_43 = arith.constant 0 : i32
        %dma_wait3A_44 = tpu.memref_slice %arg3[%add3A_28, %dma_wait3A_43] : memref<2560x128xi32, #tpu.memory_space<hbm>> -> memref<1x128xi32, #tpu.memory_space<hbm>>
        %dma_wait3A_45 = tpu.memref_squeeze %dma_wait3A_44 : memref<1x128xi32, #tpu.memory_space<hbm>> -> memref<128xi32, #tpu.memory_space<hbm>>
        tpu.wait_dma2 semaphore(%run_scoped3A : memref<!tpu.dma_semaphore, #tpu.memory_space<semaphore_mem>>) src(%dma_wait3A_45 : memref<128xi32, #tpu.memory_space<hbm>>) dst(%arg7 : memref<128xi32, #tpu.memory_space<vmem>>)
        tpu.yield
      }) : () -> ()
      %add3A_29 = arith.addi %select_n3A_11, %while3A_27 : i32
      "tpu.region"() ({
        %run_scoped3A = tpu.sem_alloc : memref<!tpu.dma_semaphore, #tpu.memory_space<semaphore_mem>>
        %dma_start3A_34 = arith.constant 0 : i32
        %dma_start3A_35 = tpu.memref_slice %arg4[%add3A_29, %dma_start3A_34] : memref<2560x128xi32, #tpu.memory_space<hbm>> -> memref<1x128xi32, #tpu.memory_space<hbm>>
        %dma_start3A_36 = tpu.memref_squeeze %dma_start3A_35 : memref<1x128xi32, #tpu.memory_space<hbm>> -> memref<128xi32, #tpu.memory_space<hbm>>
        %dma_start3A_37 = arith.constant 0 : i32
        %dma_start3A_38 = tpu.memref_slice %arg4[%add3A_29, %dma_start3A_37] : memref<2560x128xi32, #tpu.memory_space<hbm>> -> memref<1x128xi32, #tpu.memory_space<hbm>>
        %dma_start3A_39 = tpu.memref_squeeze %dma_start3A_38 : memref<1x128xi32, #tpu.memory_space<hbm>> -> memref<128xi32, #tpu.memory_space<hbm>>
        tpu.enqueue_dma source(%dma_start3A_39 : memref<128xi32, #tpu.memory_space<hbm>>) target(%arg8 : memref<128xi32, #tpu.memory_space<vmem>>) target_semaphore(%run_scoped3A : memref<!tpu.dma_semaphore, #tpu.memory_space<semaphore_mem>>)
        %dma_wait3A_40 = arith.constant 0 : i32
        %dma_wait3A_41 = tpu.memref_slice %arg4[%add3A_29, %dma_wait3A_40] : memref<2560x128xi32, #tpu.memory_space<hbm>> -> memref<1x128xi32, #tpu.memory_space<hbm>>
        %dma_wait3A_42 = tpu.memref_squeeze %dma_wait3A_41 : memref<1x128xi32, #tpu.memory_space<hbm>> -> memref<128xi32, #tpu.memory_space<hbm>>
        %dma_wait3A_43 = arith.constant 0 : i32
        %dma_wait3A_44 = tpu.memref_slice %arg4[%add3A_29, %dma_wait3A_43] : memref<2560x128xi32, #tpu.memory_space<hbm>> -> memref<1x128xi32, #tpu.memory_space<hbm>>
        %dma_wait3A_45 = tpu.memref_squeeze %dma_wait3A_44 : memref<1x128xi32, #tpu.memory_space<hbm>> -> memref<128xi32, #tpu.memory_space<hbm>>
        tpu.wait_dma2 semaphore(%run_scoped3A : memref<!tpu.dma_semaphore, #tpu.memory_space<semaphore_mem>>) src(%dma_wait3A_45 : memref<128xi32, #tpu.memory_space<hbm>>) dst(%arg8 : memref<128xi32, #tpu.memory_space<vmem>>)
        tpu.yield
      }) : () -> ()
      %dma_start3A = arith.constant 0 : i32
      %dma_start3A_30 = arith.constant 0 : i32
      %dma_start3A_31 = tpu.memref_slice %arg2[%dma_start3A, %dma_start3A_30] : memref<10000x128xf32, #tpu.memory_space<hbm>> -> memref<10000x128xf32, #tpu.memory_space<hbm>>
      tpu.enqueue_indirect_dma source(%dma_start3A_31 : memref<10000x128xf32, #tpu.memory_space<hbm>>) target(%arg9 : memref<128x128xf32, #tpu.memory_space<vmem>>) offsets(%arg7 : memref<128xi32, #tpu.memory_space<vmem>>) semaphore(%arg11 : memref<!tpu.dma_semaphore, #tpu.memory_space<semaphore_mem>>)
      %dma_wait3A = arith.constant 0 : i32
      %dma_wait3A_32 = arith.constant 0 : i32
      %dma_wait3A_33 = tpu.memref_slice %arg2[%dma_wait3A, %dma_wait3A_32] : memref<10000x128xf32, #tpu.memory_space<hbm>> -> memref<10000x128xf32, #tpu.memory_space<hbm>>
      tpu.wait_indirect_dma semaphore(%arg11 : memref<!tpu.dma_semaphore, #tpu.memory_space<semaphore_mem>>) src(%dma_wait3A_33 : memref<10000x128xf32, #tpu.memory_space<hbm>>) dst(%arg9 : memref<128x128xf32, #tpu.memory_space<vmem>>)
      "tpu.region"() ({
        %run_scoped3A = tpu.sem_alloc : memref<!tpu.dma_semaphore, #tpu.memory_space<semaphore_mem>>
        %dma_start3A_34 = arith.constant 0 : i32
        %dma_start3A_35 = arith.constant 0 : i32
        %dma_start3A_36 = tpu.memref_slice %arg10[%dma_start3A_34, %dma_start3A_35] : memref<10240x128xf32, #tpu.memory_space<vmem_shared>> -> memref<10240x128xf32, #tpu.memory_space<vmem_shared>>
        tpu.enqueue_indirect_dma source(%arg9 : memref<128x128xf32, #tpu.memory_space<vmem>>) target(%dma_start3A_36 : memref<10240x128xf32, #tpu.memory_space<vmem_shared>>) offsets(%arg8 : memref<128xi32, #tpu.memory_space<vmem>>) semaphore(%run_scoped3A : memref<!tpu.dma_semaphore, #tpu.memory_space<semaphore_mem>>) {add = true}
        %dma_wait3A_37 = arith.constant 0 : i32
        %dma_wait3A_38 = arith.constant 0 : i32
        %dma_wait3A_39 = tpu.memref_slice %arg10[%dma_wait3A_37, %dma_wait3A_38] : memref<10240x128xf32, #tpu.memory_space<vmem_shared>> -> memref<10240x128xf32, #tpu.memory_space<vmem_shared>>
        tpu.wait_indirect_dma semaphore(%run_scoped3A : memref<!tpu.dma_semaphore, #tpu.memory_space<semaphore_mem>>) src(%arg9 : memref<128x128xf32, #tpu.memory_space<vmem>>) dst(%dma_wait3A_39 : memref<10240x128xf32, #tpu.memory_space<vmem_shared>>)
        tpu.yield
      }) : () -> ()
    }
    %while3A_20 = arith.constant 1 : i32
    scf.for %while3A_27 = %while3A_18 to %while3A_14 step %while3A_20  : i32 {
      %add3A_28 = arith.addi %select_n3A_11, %while3A_27 : i32
      "tpu.region"() ({
        %run_scoped3A = tpu.sem_alloc : memref<!tpu.dma_semaphore, #tpu.memory_space<semaphore_mem>>
        %dma_start3A_34 = arith.constant 0 : i32
        %dma_start3A_35 = tpu.memref_slice %arg3[%add3A_28, %dma_start3A_34] : memref<2560x128xi32, #tpu.memory_space<hbm>> -> memref<1x128xi32, #tpu.memory_space<hbm>>
        %dma_start3A_36 = tpu.memref_squeeze %dma_start3A_35 : memref<1x128xi32, #tpu.memory_space<hbm>> -> memref<128xi32, #tpu.memory_space<hbm>>
        %dma_start3A_37 = arith.constant 0 : i32
        %dma_start3A_38 = tpu.memref_slice %arg3[%add3A_28, %dma_start3A_37] : memref<2560x128xi32, #tpu.memory_space<hbm>> -> memref<1x128xi32, #tpu.memory_space<hbm>>
        %dma_start3A_39 = tpu.memref_squeeze %dma_start3A_38 : memref<1x128xi32, #tpu.memory_space<hbm>> -> memref<128xi32, #tpu.memory_space<hbm>>
        tpu.enqueue_dma source(%dma_start3A_39 : memref<128xi32, #tpu.memory_space<hbm>>) target(%arg7 : memref<128xi32, #tpu.memory_space<vmem>>) target_semaphore(%run_scoped3A : memref<!tpu.dma_semaphore, #tpu.memory_space<semaphore_mem>>)
        %dma_wait3A_40 = arith.constant 0 : i32
        %dma_wait3A_41 = tpu.memref_slice %arg3[%add3A_28, %dma_wait3A_40] : memref<2560x128xi32, #tpu.memory_space<hbm>> -> memref<1x128xi32, #tpu.memory_space<hbm>>
        %dma_wait3A_42 = tpu.memref_squeeze %dma_wait3A_41 : memref<1x128xi32, #tpu.memory_space<hbm>> -> memref<128xi32, #tpu.memory_space<hbm>>
        %dma_wait3A_43 = arith.constant 0 : i32
        %dma_wait3A_44 = tpu.memref_slice %arg3[%add3A_28, %dma_wait3A_43] : memref<2560x128xi32, #tpu.memory_space<hbm>> -> memref<1x128xi32, #tpu.memory_space<hbm>>
        %dma_wait3A_45 = tpu.memref_squeeze %dma_wait3A_44 : memref<1x128xi32, #tpu.memory_space<hbm>> -> memref<128xi32, #tpu.memory_space<hbm>>
        tpu.wait_dma2 semaphore(%run_scoped3A : memref<!tpu.dma_semaphore, #tpu.memory_space<semaphore_mem>>) src(%dma_wait3A_45 : memref<128xi32, #tpu.memory_space<hbm>>) dst(%arg7 : memref<128xi32, #tpu.memory_space<vmem>>)
        tpu.yield
      }) : () -> ()
      %add3A_29 = arith.addi %select_n3A_11, %while3A_27 : i32
      "tpu.region"() ({
        %run_scoped3A = tpu.sem_alloc : memref<!tpu.dma_semaphore, #tpu.memory_space<semaphore_mem>>
        %dma_start3A_34 = arith.constant 0 : i32
        %dma_start3A_35 = tpu.memref_slice %arg4[%add3A_29, %dma_start3A_34] : memref<2560x128xi32, #tpu.memory_space<hbm>> -> memref<1x128xi32, #tpu.memory_space<hbm>>
        %dma_start3A_36 = tpu.memref_squeeze %dma_start3A_35 : memref<1x128xi32, #tpu.memory_space<hbm>> -> memref<128xi32, #tpu.memory_space<hbm>>
        %dma_start3A_37 = arith.constant 0 : i32
        %dma_start3A_38 = tpu.memref_slice %arg4[%add3A_29, %dma_start3A_37] : memref<2560x128xi32, #tpu.memory_space<hbm>> -> memref<1x128xi32, #tpu.memory_space<hbm>>
        %dma_start3A_39 = tpu.memref_squeeze %dma_start3A_38 : memref<1x128xi32, #tpu.memory_space<hbm>> -> memref<128xi32, #tpu.memory_space<hbm>>
        tpu.enqueue_dma source(%dma_start3A_39 : memref<128xi32, #tpu.memory_space<hbm>>) target(%arg8 : memref<128xi32, #tpu.memory_space<vmem>>) target_semaphore(%run_scoped3A : memref<!tpu.dma_semaphore, #tpu.memory_space<semaphore_mem>>)
        %dma_wait3A_40 = arith.constant 0 : i32
        %dma_wait3A_41 = tpu.memref_slice %arg4[%add3A_29, %dma_wait3A_40] : memref<2560x128xi32, #tpu.memory_space<hbm>> -> memref<1x128xi32, #tpu.memory_space<hbm>>
        %dma_wait3A_42 = tpu.memref_squeeze %dma_wait3A_41 : memref<1x128xi32, #tpu.memory_space<hbm>> -> memref<128xi32, #tpu.memory_space<hbm>>
        %dma_wait3A_43 = arith.constant 0 : i32
        %dma_wait3A_44 = tpu.memref_slice %arg4[%add3A_29, %dma_wait3A_43] : memref<2560x128xi32, #tpu.memory_space<hbm>> -> memref<1x128xi32, #tpu.memory_space<hbm>>
        %dma_wait3A_45 = tpu.memref_squeeze %dma_wait3A_44 : memref<1x128xi32, #tpu.memory_space<hbm>> -> memref<128xi32, #tpu.memory_space<hbm>>
        tpu.wait_dma2 semaphore(%run_scoped3A : memref<!tpu.dma_semaphore, #tpu.memory_space<semaphore_mem>>) src(%dma_wait3A_45 : memref<128xi32, #tpu.memory_space<hbm>>) dst(%arg8 : memref<128xi32, #tpu.memory_space<vmem>>)
        tpu.yield
      }) : () -> ()
      %dma_start3A = arith.constant 0 : i32
      %dma_start3A_30 = arith.constant 0 : i32
      %dma_start3A_31 = tpu.memref_slice %arg2[%dma_start3A, %dma_start3A_30] : memref<10000x128xf32, #tpu.memory_space<hbm>> -> memref<10000x128xf32, #tpu.memory_space<hbm>>
      tpu.enqueue_indirect_dma source(%dma_start3A_31 : memref<10000x128xf32, #tpu.memory_space<hbm>>) target(%arg9 : memref<128x128xf32, #tpu.memory_space<vmem>>) offsets(%arg7 : memref<128xi32, #tpu.memory_space<vmem>>) semaphore(%arg11 : memref<!tpu.dma_semaphore, #tpu.memory_space<semaphore_mem>>)
      %dma_wait3A = arith.constant 0 : i32
      %dma_wait3A_32 = arith.constant 0 : i32
      %dma_wait3A_33 = tpu.memref_slice %arg2[%dma_wait3A, %dma_wait3A_32] : memref<10000x128xf32, #tpu.memory_space<hbm>> -> memref<10000x128xf32, #tpu.memory_space<hbm>>
      tpu.wait_indirect_dma semaphore(%arg11 : memref<!tpu.dma_semaphore, #tpu.memory_space<semaphore_mem>>) src(%dma_wait3A_33 : memref<10000x128xf32, #tpu.memory_space<hbm>>) dst(%arg9 : memref<128x128xf32, #tpu.memory_space<vmem>>)
      "tpu.region"() ({
        %run_scoped3A = tpu.sem_alloc : memref<!tpu.dma_semaphore, #tpu.memory_space<semaphore_mem>>
        %dma_start3A_34 = arith.constant 0 : i32
        %dma_start3A_35 = arith.constant 0 : i32
        %dma_start3A_36 = tpu.memref_slice %arg10[%dma_start3A_34, %dma_start3A_35] : memref<10240x128xf32, #tpu.memory_space<vmem_shared>> -> memref<10240x128xf32, #tpu.memory_space<vmem_shared>>
        tpu.enqueue_indirect_dma source(%arg9 : memref<128x128xf32, #tpu.memory_space<vmem>>) target(%dma_start3A_36 : memref<10240x128xf32, #tpu.memory_space<vmem_shared>>) offsets(%arg8 : memref<128xi32, #tpu.memory_space<vmem>>) semaphore(%run_scoped3A : memref<!tpu.dma_semaphore, #tpu.memory_space<semaphore_mem>>) {add = true}
        %dma_wait3A_37 = arith.constant 0 : i32
        %dma_wait3A_38 = arith.constant 0 : i32
        %dma_wait3A_39 = tpu.memref_slice %arg10[%dma_wait3A_37, %dma_wait3A_38] : memref<10240x128xf32, #tpu.memory_space<vmem_shared>> -> memref<10240x128xf32, #tpu.memory_space<vmem_shared>>
        tpu.wait_indirect_dma semaphore(%run_scoped3A : memref<!tpu.dma_semaphore, #tpu.memory_space<semaphore_mem>>) src(%arg9 : memref<128x128xf32, #tpu.memory_space<vmem>>) dst(%dma_wait3A_39 : memref<10240x128xf32, #tpu.memory_space<vmem_shared>>)
        tpu.yield
      }) : () -> ()
    }
    %barrier3A_21 = arith.constant 0 : index
    tpu.barrier barrier_id(%barrier3A_21)
    %scan3A = arith.constant 0 : i32
    %scan3A_22 = arith.constant 0 : i32
    %scan3A_23 = arith.constant 5 : i32
    %scan3A_24 = arith.addi %scan3A_22, %scan3A_23 : i32
    %scan3A_25 = arith.constant 1 : i32
    scf.for %scan3A_27 = %scan3A_22 to %scan3A_24 step %scan3A_25  : i32 {
      %mul3A_28 = arith.constant 128 : i32
      %mul3A_29 = arith.muli %scan3A_27, %mul3A_28 : i32
      %add3A_30 = arith.addi %mul3A_0, %mul3A_29 : i32
      "tpu.region"() ({
        %run_scoped3A = tpu.sem_alloc : memref<!tpu.dma_semaphore, #tpu.memory_space<semaphore_mem>>
        %dma_start3A = arith.constant 0 : i32
        %dma_start3A_34 = tpu.memref_slice %arg10[%add3A_30, %dma_start3A] : memref<10240x128xf32, #tpu.memory_space<vmem_shared>> -> memref<128x128xf32, #tpu.memory_space<vmem_shared>>
        %dma_start3A_35 = arith.constant 0 : i32
        %dma_start3A_36 = tpu.memref_slice %arg10[%add3A_30, %dma_start3A_35] : memref<10240x128xf32, #tpu.memory_space<vmem_shared>> -> memref<128x128xf32, #tpu.memory_space<vmem_shared>>
        tpu.enqueue_dma source(%dma_start3A_36 : memref<128x128xf32, #tpu.memory_space<vmem_shared>>) target(%arg9 : memref<128x128xf32, #tpu.memory_space<vmem>>) target_semaphore(%run_scoped3A : memref<!tpu.dma_semaphore, #tpu.memory_space<semaphore_mem>>)
        %dma_wait3A = arith.constant 0 : i32
        %dma_wait3A_37 = tpu.memref_slice %arg10[%add3A_30, %dma_wait3A] : memref<10240x128xf32, #tpu.memory_space<vmem_shared>> -> memref<128x128xf32, #tpu.memory_space<vmem_shared>>
        %dma_wait3A_38 = arith.constant 0 : i32
        %dma_wait3A_39 = tpu.memref_slice %arg10[%add3A_30, %dma_wait3A_38] : memref<10240x128xf32, #tpu.memory_space<vmem_shared>> -> memref<128x128xf32, #tpu.memory_space<vmem_shared>>
        tpu.wait_dma2 semaphore(%run_scoped3A : memref<!tpu.dma_semaphore, #tpu.memory_space<semaphore_mem>>) src(%dma_wait3A_39 : memref<128x128xf32, #tpu.memory_space<vmem_shared>>) dst(%arg9 : memref<128x128xf32, #tpu.memory_space<vmem>>)
        tpu.yield
      }) : () -> ()
      %mul3A_31 = arith.constant 10240 : i32
      %mul3A_32 = arith.muli %arg0, %mul3A_31 : i32
      %add3A_33 = arith.addi %mul3A_32, %add3A_30 : i32
      "tpu.region"() ({
        %run_scoped3A = tpu.sem_alloc : memref<!tpu.dma_semaphore, #tpu.memory_space<semaphore_mem>>
        %dma_start3A = arith.constant 0 : i32
        %dma_start3A_34 = tpu.memref_slice %arg6[%add3A_33, %dma_start3A] : memref<20480x128xf32, #tpu.memory_space<hbm>> -> memref<128x128xf32, #tpu.memory_space<hbm>>
        %dma_start3A_35 = arith.constant 0 : i32
        %dma_start3A_36 = tpu.memref_slice %arg6[%add3A_33, %dma_start3A_35] : memref<20480x128xf32, #tpu.memory_space<hbm>> -> memref<128x128xf32, #tpu.memory_space<hbm>>
        tpu.enqueue_dma source(%arg9 : memref<128x128xf32, #tpu.memory_space<vmem>>) target(%dma_start3A_36 : memref<128x128xf32, #tpu.memory_space<hbm>>) target_semaphore(%run_scoped3A : memref<!tpu.dma_semaphore, #tpu.memory_space<semaphore_mem>>)
        %dma_wait3A = arith.constant 0 : i32
        %dma_wait3A_37 = tpu.memref_slice %arg6[%add3A_33, %dma_wait3A] : memref<20480x128xf32, #tpu.memory_space<hbm>> -> memref<128x128xf32, #tpu.memory_space<hbm>>
        %dma_wait3A_38 = arith.constant 0 : i32
        %dma_wait3A_39 = tpu.memref_slice %arg6[%add3A_33, %dma_wait3A_38] : memref<20480x128xf32, #tpu.memory_space<hbm>> -> memref<128x128xf32, #tpu.memory_space<hbm>>
        tpu.wait_dma2 semaphore(%run_scoped3A : memref<!tpu.dma_semaphore, #tpu.memory_space<semaphore_mem>>) src(%arg9 : memref<128x128xf32, #tpu.memory_space<vmem>>) dst(%dma_wait3A_39 : memref<128x128xf32, #tpu.memory_space<hbm>>)
        tpu.yield
      }) : () -> ()
    }
    %scan3A_26 = arith.constant 5 : i32
    return
  }
}

#map = affine_map<(d0, d1) -> (0, 0)>
module attributes {stable_mosaic.version = 14 : i64} {
  func.func @k(%arg0: i32, %arg1: i32, %arg2: memref<10000x128xf32, #tpu.memory_space<hbm>>, %arg3: memref<2560x128xi32, #tpu.memory_space<hbm>>, %arg4: memref<2560x128xi32, #tpu.memory_space<hbm>>, %arg5: memref<10240x128xf32, #tpu.memory_space<hbm>>, %arg6: memref<20480x128xf32, #tpu.memory_space<hbm>>, %arg7: memref<128xi32, #tpu.memory_space<vmem>>, %arg8: memref<128xi32, #tpu.memory_space<vmem>>, %arg9: memref<128x128xf32, #tpu.memory_space<vmem>>, %arg10: memref<10240x128xf32, #tpu.memory_space<vmem_shared>>, %arg11: memref<!tpu.dma_semaphore, #tpu.memory_space<semaphore_mem>>) attributes {dimension_semantics = [#tpu.dimension_semantics<core_parallel>, #tpu.dimension_semantics<subcore_parallel>], iteration_bounds = array<i64: 2, 16>, scalar_prefetch = 0 : i64, scratch_operands = 5 : i64, tpu.core_type = #tpu.core_type<sc_vector_subcore>, window_params = [{transform_indices = #map}, {transform_indices = #map}, {transform_indices = #map}, {transform_indices = #map}, {transform_indices = #map}]} {
    %mul3A = arith.constant 640 : i32
    %mul3A_0 = arith.muli %arg1, %mul3A : i32
    %eq3A = arith.constant 0 : i32
    %eq3A_1 = arith.cmpi eq, %arg0, %eq3A : i32
    %select_n3A = arith.constant 98 : i32
    %select_n3A_2 = arith.constant 62 : i32
    %select_n3A_3 = arith.select %eq3A_1, %select_n3A_2, %select_n3A : i32
    %eq3A_4 = arith.constant 0 : i32
    %eq3A_5 = arith.cmpi eq, %arg0, %eq3A_4 : i32
    %mul3A_6 = arith.constant 62 : i32
    %mul3A_7 = arith.muli %arg1, %mul3A_6 : i32
    %mul3A_8 = arith.constant 98 : i32
    %mul3A_9 = arith.muli %arg1, %mul3A_8 : i32
    %add3A = arith.constant 992 : i32
    %add3A_10 = arith.addi %add3A, %mul3A_9 : i32
    %select_n3A_11 = arith.select %eq3A_5, %mul3A_7, %add3A_10 : i32
    "tpu.region"() ({
      %run_scoped3A = tpu.sem_alloc : memref<!tpu.dma_semaphore, #tpu.memory_space<semaphore_mem>>
      %dma_start3A = arith.constant 0 : i32
      %dma_start3A_27 = tpu.memref_slice %arg10[%mul3A_0, %dma_start3A] : memref<10240x128xf32, #tpu.memory_space<vmem_shared>> -> memref<640x128xf32, #tpu.memory_space<vmem_shared>>
      %dma_start3A_28 = arith.constant 0 : i32
      %dma_start3A_29 = tpu.memref_slice %arg5[%mul3A_0, %dma_start3A_28] : memref<10240x128xf32, #tpu.memory_space<hbm>> -> memref<640x128xf32, #tpu.memory_space<hbm>>
      tpu.enqueue_dma source(%dma_start3A_29 : memref<640x128xf32, #tpu.memory_space<hbm>>) target(%dma_start3A_27 : memref<640x128xf32, #tpu.memory_space<vmem_shared>>) target_semaphore(%run_scoped3A : memref<!tpu.dma_semaphore, #tpu.memory_space<semaphore_mem>>)
      %dma_wait3A = arith.constant 0 : i32
      %dma_wait3A_30 = tpu.memref_slice %arg10[%mul3A_0, %dma_wait3A] : memref<10240x128xf32, #tpu.memory_space<vmem_shared>> -> memref<640x128xf32, #tpu.memory_space<vmem_shared>>
      %dma_wait3A_31 = arith.constant 0 : i32
      %dma_wait3A_32 = tpu.memref_slice %arg5[%mul3A_0, %dma_wait3A_31] : memref<10240x128xf32, #tpu.memory_space<hbm>> -> memref<640x128xf32, #tpu.memory_space<hbm>>
      tpu.wait_dma2 semaphore(%run_scoped3A : memref<!tpu.dma_semaphore, #tpu.memory_space<semaphore_mem>>) src(%dma_wait3A_32 : memref<640x128xf32, #tpu.memory_space<hbm>>) dst(%dma_wait3A_30 : memref<640x128xf32, #tpu.memory_space<vmem_shared>>)
      tpu.yield
    }) : () -> ()
    %barrier3A = arith.constant 0 : index
    tpu.barrier barrier_id(%barrier3A)
    %while3A = arith.constant 0 : i32
    %while3A_12 = arith.constant 0 : i32
    %while3A_13 = arith.subi %select_n3A_3, %while3A_12 : i32
    %while3A_14 = arith.addi %while3A_12, %while3A_13 : i32
    %while3A_15 = arith.constant 1 : i32
    %while3A_16 = arith.divsi %while3A_13, %while3A_15 : i32
    %while3A_17 = arith.muli %while3A_16, %while3A_15 : i32
    %while3A_18 = arith.addi %while3A_12, %while3A_17 : i32
    %while3A_19 = arith.constant 1 : i32
    scf.for %while3A_27 = %while3A_12 to %while3A_18 step %while3A_19  : i32 {
      %add3A_28 = arith.addi %select_n3A_11, %while3A_27 : i32
      "tpu.region"() ({
        %run_scoped3A = tpu.sem_alloc : memref<!tpu.dma_semaphore, #tpu.memory_space<semaphore_mem>>
        %dma_start3A_34 = arith.constant 0 : i32
        %dma_start3A_35 = tpu.memref_slice %arg3[%add3A_28, %dma_start3A_34] : memref<2560x128xi32, #tpu.memory_space<hbm>> -> memref<1x128xi32, #tpu.memory_space<hbm>>
        %dma_start3A_36 = tpu.memref_squeeze %dma_start3A_35 : memref<1x128xi32, #tpu.memory_space<hbm>> -> memref<128xi32, #tpu.memory_space<hbm>>
        %dma_start3A_37 = arith.constant 0 : i32
        %dma_start3A_38 = tpu.memref_slice %arg3[%add3A_28, %dma_start3A_37] : memref<2560x128xi32, #tpu.memory_space<hbm>> -> memref<1x128xi32, #tpu.memory_space<hbm>>
        %dma_start3A_39 = tpu.memref_squeeze %dma_start3A_38 : memref<1x128xi32, #tpu.memory_space<hbm>> -> memref<128xi32, #tpu.memory_space<hbm>>
        tpu.enqueue_dma source(%dma_start3A_39 : memref<128xi32, #tpu.memory_space<hbm>>) target(%arg7 : memref<128xi32, #tpu.memory_space<vmem>>) target_semaphore(%run_scoped3A : memref<!tpu.dma_semaphore, #tpu.memory_space<semaphore_mem>>)
        %dma_wait3A_40 = arith.constant 0 : i32
        %dma_wait3A_41 = tpu.memref_slice %arg3[%add3A_28, %dma_wait3A_40] : memref<2560x128xi32, #tpu.memory_space<hbm>> -> memref<1x128xi32, #tpu.memory_space<hbm>>
        %dma_wait3A_42 = tpu.memref_squeeze %dma_wait3A_41 : memref<1x128xi32, #tpu.memory_space<hbm>> -> memref<128xi32, #tpu.memory_space<hbm>>
        %dma_wait3A_43 = arith.constant 0 : i32
        %dma_wait3A_44 = tpu.memref_slice %arg3[%add3A_28, %dma_wait3A_43] : memref<2560x128xi32, #tpu.memory_space<hbm>> -> memref<1x128xi32, #tpu.memory_space<hbm>>
        %dma_wait3A_45 = tpu.memref_squeeze %dma_wait3A_44 : memref<1x128xi32, #tpu.memory_space<hbm>> -> memref<128xi32, #tpu.memory_space<hbm>>
        tpu.wait_dma2 semaphore(%run_scoped3A : memref<!tpu.dma_semaphore, #tpu.memory_space<semaphore_mem>>) src(%dma_wait3A_45 : memref<128xi32, #tpu.memory_space<hbm>>) dst(%arg7 : memref<128xi32, #tpu.memory_space<vmem>>)
        tpu.yield
      }) : () -> ()
      %add3A_29 = arith.addi %select_n3A_11, %while3A_27 : i32
      "tpu.region"() ({
        %run_scoped3A = tpu.sem_alloc : memref<!tpu.dma_semaphore, #tpu.memory_space<semaphore_mem>>
        %dma_start3A_34 = arith.constant 0 : i32
        %dma_start3A_35 = tpu.memref_slice %arg4[%add3A_29, %dma_start3A_34] : memref<2560x128xi32, #tpu.memory_space<hbm>> -> memref<1x128xi32, #tpu.memory_space<hbm>>
        %dma_start3A_36 = tpu.memref_squeeze %dma_start3A_35 : memref<1x128xi32, #tpu.memory_space<hbm>> -> memref<128xi32, #tpu.memory_space<hbm>>
        %dma_start3A_37 = arith.constant 0 : i32
        %dma_start3A_38 = tpu.memref_slice %arg4[%add3A_29, %dma_start3A_37] : memref<2560x128xi32, #tpu.memory_space<hbm>> -> memref<1x128xi32, #tpu.memory_space<hbm>>
        %dma_start3A_39 = tpu.memref_squeeze %dma_start3A_38 : memref<1x128xi32, #tpu.memory_space<hbm>> -> memref<128xi32, #tpu.memory_space<hbm>>
        tpu.enqueue_dma source(%dma_start3A_39 : memref<128xi32, #tpu.memory_space<hbm>>) target(%arg8 : memref<128xi32, #tpu.memory_space<vmem>>) target_semaphore(%run_scoped3A : memref<!tpu.dma_semaphore, #tpu.memory_space<semaphore_mem>>)
        %dma_wait3A_40 = arith.constant 0 : i32
        %dma_wait3A_41 = tpu.memref_slice %arg4[%add3A_29, %dma_wait3A_40] : memref<2560x128xi32, #tpu.memory_space<hbm>> -> memref<1x128xi32, #tpu.memory_space<hbm>>
        %dma_wait3A_42 = tpu.memref_squeeze %dma_wait3A_41 : memref<1x128xi32, #tpu.memory_space<hbm>> -> memref<128xi32, #tpu.memory_space<hbm>>
        %dma_wait3A_43 = arith.constant 0 : i32
        %dma_wait3A_44 = tpu.memref_slice %arg4[%add3A_29, %dma_wait3A_43] : memref<2560x128xi32, #tpu.memory_space<hbm>> -> memref<1x128xi32, #tpu.memory_space<hbm>>
        %dma_wait3A_45 = tpu.memref_squeeze %dma_wait3A_44 : memref<1x128xi32, #tpu.memory_space<hbm>> -> memref<128xi32, #tpu.memory_space<hbm>>
        tpu.wait_dma2 semaphore(%run_scoped3A : memref<!tpu.dma_semaphore, #tpu.memory_space<semaphore_mem>>) src(%dma_wait3A_45 : memref<128xi32, #tpu.memory_space<hbm>>) dst(%arg8 : memref<128xi32, #tpu.memory_space<vmem>>)
        tpu.yield
      }) : () -> ()
      %dma_start3A = arith.constant 0 : i32
      %dma_start3A_30 = arith.constant 0 : i32
      %dma_start3A_31 = tpu.memref_slice %arg2[%dma_start3A, %dma_start3A_30] : memref<10000x128xf32, #tpu.memory_space<hbm>> -> memref<10000x128xf32, #tpu.memory_space<hbm>>
      tpu.enqueue_indirect_dma source(%dma_start3A_31 : memref<10000x128xf32, #tpu.memory_space<hbm>>) target(%arg9 : memref<128x128xf32, #tpu.memory_space<vmem>>) offsets(%arg7 : memref<128xi32, #tpu.memory_space<vmem>>) semaphore(%arg11 : memref<!tpu.dma_semaphore, #tpu.memory_space<semaphore_mem>>)
      %dma_wait3A = arith.constant 0 : i32
      %dma_wait3A_32 = arith.constant 0 : i32
      %dma_wait3A_33 = tpu.memref_slice %arg2[%dma_wait3A, %dma_wait3A_32] : memref<10000x128xf32, #tpu.memory_space<hbm>> -> memref<10000x128xf32, #tpu.memory_space<hbm>>
      tpu.wait_indirect_dma semaphore(%arg11 : memref<!tpu.dma_semaphore, #tpu.memory_space<semaphore_mem>>) src(%dma_wait3A_33 : memref<10000x128xf32, #tpu.memory_space<hbm>>) dst(%arg9 : memref<128x128xf32, #tpu.memory_space<vmem>>)
      "tpu.region"() ({
        %run_scoped3A = tpu.sem_alloc : memref<!tpu.dma_semaphore, #tpu.memory_space<semaphore_mem>>
        %dma_start3A_34 = arith.constant 0 : i32
        %dma_start3A_35 = arith.constant 0 : i32
        %dma_start3A_36 = tpu.memref_slice %arg10[%dma_start3A_34, %dma_start3A_35] : memref<10240x128xf32, #tpu.memory_space<vmem_shared>> -> memref<10240x128xf32, #tpu.memory_space<vmem_shared>>
        tpu.enqueue_indirect_dma source(%arg9 : memref<128x128xf32, #tpu.memory_space<vmem>>) target(%dma_start3A_36 : memref<10240x128xf32, #tpu.memory_space<vmem_shared>>) offsets(%arg8 : memref<128xi32, #tpu.memory_space<vmem>>) semaphore(%run_scoped3A : memref<!tpu.dma_semaphore, #tpu.memory_space<semaphore_mem>>) {add = true}
        %dma_wait3A_37 = arith.constant 0 : i32
        %dma_wait3A_38 = arith.constant 0 : i32
        %dma_wait3A_39 = tpu.memref_slice %arg10[%dma_wait3A_37, %dma_wait3A_38] : memref<10240x128xf32, #tpu.memory_space<vmem_shared>> -> memref<10240x128xf32, #tpu.memory_space<vmem_shared>>
        tpu.wait_indirect_dma semaphore(%run_scoped3A : memref<!tpu.dma_semaphore, #tpu.memory_space<semaphore_mem>>) src(%arg9 : memref<128x128xf32, #tpu.memory_space<vmem>>) dst(%dma_wait3A_39 : memref<10240x128xf32, #tpu.memory_space<vmem_shared>>)
        tpu.yield
      }) : () -> ()
    }
    %while3A_20 = arith.constant 1 : i32
    scf.for %while3A_27 = %while3A_18 to %while3A_14 step %while3A_20  : i32 {
      %add3A_28 = arith.addi %select_n3A_11, %while3A_27 : i32
      "tpu.region"() ({
        %run_scoped3A = tpu.sem_alloc : memref<!tpu.dma_semaphore, #tpu.memory_space<semaphore_mem>>
        %dma_start3A_34 = arith.constant 0 : i32
        %dma_start3A_35 = tpu.memref_slice %arg3[%add3A_28, %dma_start3A_34] : memref<2560x128xi32, #tpu.memory_space<hbm>> -> memref<1x128xi32, #tpu.memory_space<hbm>>
        %dma_start3A_36 = tpu.memref_squeeze %dma_start3A_35 : memref<1x128xi32, #tpu.memory_space<hbm>> -> memref<128xi32, #tpu.memory_space<hbm>>
        %dma_start3A_37 = arith.constant 0 : i32
        %dma_start3A_38 = tpu.memref_slice %arg3[%add3A_28, %dma_start3A_37] : memref<2560x128xi32, #tpu.memory_space<hbm>> -> memref<1x128xi32, #tpu.memory_space<hbm>>
        %dma_start3A_39 = tpu.memref_squeeze %dma_start3A_38 : memref<1x128xi32, #tpu.memory_space<hbm>> -> memref<128xi32, #tpu.memory_space<hbm>>
        tpu.enqueue_dma source(%dma_start3A_39 : memref<128xi32, #tpu.memory_space<hbm>>) target(%arg7 : memref<128xi32, #tpu.memory_space<vmem>>) target_semaphore(%run_scoped3A : memref<!tpu.dma_semaphore, #tpu.memory_space<semaphore_mem>>)
        %dma_wait3A_40 = arith.constant 0 : i32
        %dma_wait3A_41 = tpu.memref_slice %arg3[%add3A_28, %dma_wait3A_40] : memref<2560x128xi32, #tpu.memory_space<hbm>> -> memref<1x128xi32, #tpu.memory_space<hbm>>
        %dma_wait3A_42 = tpu.memref_squeeze %dma_wait3A_41 : memref<1x128xi32, #tpu.memory_space<hbm>> -> memref<128xi32, #tpu.memory_space<hbm>>
        %dma_wait3A_43 = arith.constant 0 : i32
        %dma_wait3A_44 = tpu.memref_slice %arg3[%add3A_28, %dma_wait3A_43] : memref<2560x128xi32, #tpu.memory_space<hbm>> -> memref<1x128xi32, #tpu.memory_space<hbm>>
        %dma_wait3A_45 = tpu.memref_squeeze %dma_wait3A_44 : memref<1x128xi32, #tpu.memory_space<hbm>> -> memref<128xi32, #tpu.memory_space<hbm>>
        tpu.wait_dma2 semaphore(%run_scoped3A : memref<!tpu.dma_semaphore, #tpu.memory_space<semaphore_mem>>) src(%dma_wait3A_45 : memref<128xi32, #tpu.memory_space<hbm>>) dst(%arg7 : memref<128xi32, #tpu.memory_space<vmem>>)
        tpu.yield
      }) : () -> ()
      %add3A_29 = arith.addi %select_n3A_11, %while3A_27 : i32
      "tpu.region"() ({
        %run_scoped3A = tpu.sem_alloc : memref<!tpu.dma_semaphore, #tpu.memory_space<semaphore_mem>>
        %dma_start3A_34 = arith.constant 0 : i32
        %dma_start3A_35 = tpu.memref_slice %arg4[%add3A_29, %dma_start3A_34] : memref<2560x128xi32, #tpu.memory_space<hbm>> -> memref<1x128xi32, #tpu.memory_space<hbm>>
        %dma_start3A_36 = tpu.memref_squeeze %dma_start3A_35 : memref<1x128xi32, #tpu.memory_space<hbm>> -> memref<128xi32, #tpu.memory_space<hbm>>
        %dma_start3A_37 = arith.constant 0 : i32
        %dma_start3A_38 = tpu.memref_slice %arg4[%add3A_29, %dma_start3A_37] : memref<2560x128xi32, #tpu.memory_space<hbm>> -> memref<1x128xi32, #tpu.memory_space<hbm>>
        %dma_start3A_39 = tpu.memref_squeeze %dma_start3A_38 : memref<1x128xi32, #tpu.memory_space<hbm>> -> memref<128xi32, #tpu.memory_space<hbm>>
        tpu.enqueue_dma source(%dma_start3A_39 : memref<128xi32, #tpu.memory_space<hbm>>) target(%arg8 : memref<128xi32, #tpu.memory_space<vmem>>) target_semaphore(%run_scoped3A : memref<!tpu.dma_semaphore, #tpu.memory_space<semaphore_mem>>)
        %dma_wait3A_40 = arith.constant 0 : i32
        %dma_wait3A_41 = tpu.memref_slice %arg4[%add3A_29, %dma_wait3A_40] : memref<2560x128xi32, #tpu.memory_space<hbm>> -> memref<1x128xi32, #tpu.memory_space<hbm>>
        %dma_wait3A_42 = tpu.memref_squeeze %dma_wait3A_41 : memref<1x128xi32, #tpu.memory_space<hbm>> -> memref<128xi32, #tpu.memory_space<hbm>>
        %dma_wait3A_43 = arith.constant 0 : i32
        %dma_wait3A_44 = tpu.memref_slice %arg4[%add3A_29, %dma_wait3A_43] : memref<2560x128xi32, #tpu.memory_space<hbm>> -> memref<1x128xi32, #tpu.memory_space<hbm>>
        %dma_wait3A_45 = tpu.memref_squeeze %dma_wait3A_44 : memref<1x128xi32, #tpu.memory_space<hbm>> -> memref<128xi32, #tpu.memory_space<hbm>>
        tpu.wait_dma2 semaphore(%run_scoped3A : memref<!tpu.dma_semaphore, #tpu.memory_space<semaphore_mem>>) src(%dma_wait3A_45 : memref<128xi32, #tpu.memory_space<hbm>>) dst(%arg8 : memref<128xi32, #tpu.memory_space<vmem>>)
        tpu.yield
      }) : () -> ()
      %dma_start3A = arith.constant 0 : i32
      %dma_start3A_30 = arith.constant 0 : i32
      %dma_start3A_31 = tpu.memref_slice %arg2[%dma_start3A, %dma_start3A_30] : memref<10000x128xf32, #tpu.memory_space<hbm>> -> memref<10000x128xf32, #tpu.memory_space<hbm>>
      tpu.enqueue_indirect_dma source(%dma_start3A_31 : memref<10000x128xf32, #tpu.memory_space<hbm>>) target(%arg9 : memref<128x128xf32, #tpu.memory_space<vmem>>) offsets(%arg7 : memref<128xi32, #tpu.memory_space<vmem>>) semaphore(%arg11 : memref<!tpu.dma_semaphore, #tpu.memory_space<semaphore_mem>>)
      %dma_wait3A = arith.constant 0 : i32
      %dma_wait3A_32 = arith.constant 0 : i32
      %dma_wait3A_33 = tpu.memref_slice %arg2[%dma_wait3A, %dma_wait3A_32] : memref<10000x128xf32, #tpu.memory_space<hbm>> -> memref<10000x128xf32, #tpu.memory_space<hbm>>
      tpu.wait_indirect_dma semaphore(%arg11 : memref<!tpu.dma_semaphore, #tpu.memory_space<semaphore_mem>>) src(%dma_wait3A_33 : memref<10000x128xf32, #tpu.memory_space<hbm>>) dst(%arg9 : memref<128x128xf32, #tpu.memory_space<vmem>>)
      "tpu.region"() ({
        %run_scoped3A = tpu.sem_alloc : memref<!tpu.dma_semaphore, #tpu.memory_space<semaphore_mem>>
        %dma_start3A_34 = arith.constant 0 : i32
        %dma_start3A_35 = arith.constant 0 : i32
        %dma_start3A_36 = tpu.memref_slice %arg10[%dma_start3A_34, %dma_start3A_35] : memref<10240x128xf32, #tpu.memory_space<vmem_shared>> -> memref<10240x128xf32, #tpu.memory_space<vmem_shared>>
        tpu.enqueue_indirect_dma source(%arg9 : memref<128x128xf32, #tpu.memory_space<vmem>>) target(%dma_start3A_36 : memref<10240x128xf32, #tpu.memory_space<vmem_shared>>) offsets(%arg8 : memref<128xi32, #tpu.memory_space<vmem>>) semaphore(%run_scoped3A : memref<!tpu.dma_semaphore, #tpu.memory_space<semaphore_mem>>) {add = true}
        %dma_wait3A_37 = arith.constant 0 : i32
        %dma_wait3A_38 = arith.constant 0 : i32
        %dma_wait3A_39 = tpu.memref_slice %arg10[%dma_wait3A_37, %dma_wait3A_38] : memref<10240x128xf32, #tpu.memory_space<vmem_shared>> -> memref<10240x128xf32, #tpu.memory_space<vmem_shared>>
        tpu.wait_indirect_dma semaphore(%run_scoped3A : memref<!tpu.dma_semaphore, #tpu.memory_space<semaphore_mem>>) src(%arg9 : memref<128x128xf32, #tpu.memory_space<vmem>>) dst(%dma_wait3A_39 : memref<10240x128xf32, #tpu.memory_space<vmem_shared>>)
        tpu.yield
      }) : () -> ()
    }
    %barrier3A_21 = arith.constant 0 : index
    tpu.barrier barrier_id(%barrier3A_21)
    %scan3A = arith.constant 0 : i32
    %scan3A_22 = arith.constant 0 : i32
    %scan3A_23 = arith.constant 5 : i32
    %scan3A_24 = arith.addi %scan3A_22, %scan3A_23 : i32
    %scan3A_25 = arith.constant 1 : i32
    scf.for %scan3A_27 = %scan3A_22 to %scan3A_24 step %scan3A_25  : i32 {
      %mul3A_28 = arith.constant 128 : i32
      %mul3A_29 = arith.muli %scan3A_27, %mul3A_28 : i32
      %add3A_30 = arith.addi %mul3A_0, %mul3A_29 : i32
      "tpu.region"() ({
        %run_scoped3A = tpu.sem_alloc : memref<!tpu.dma_semaphore, #tpu.memory_space<semaphore_mem>>
        %dma_start3A = arith.constant 0 : i32
        %dma_start3A_34 = tpu.memref_slice %arg10[%add3A_30, %dma_start3A] : memref<10240x128xf32, #tpu.memory_space<vmem_shared>> -> memref<128x128xf32, #tpu.memory_space<vmem_shared>>
        %dma_start3A_35 = arith.constant 0 : i32
        %dma_start3A_36 = tpu.memref_slice %arg10[%add3A_30, %dma_start3A_35] : memref<10240x128xf32, #tpu.memory_space<vmem_shared>> -> memref<128x128xf32, #tpu.memory_space<vmem_shared>>
        tpu.enqueue_dma source(%dma_start3A_36 : memref<128x128xf32, #tpu.memory_space<vmem_shared>>) target(%arg9 : memref<128x128xf32, #tpu.memory_space<vmem>>) target_semaphore(%run_scoped3A : memref<!tpu.dma_semaphore, #tpu.memory_space<semaphore_mem>>)
        %dma_wait3A = arith.constant 0 : i32
        %dma_wait3A_37 = tpu.memref_slice %arg10[%add3A_30, %dma_wait3A] : memref<10240x128xf32, #tpu.memory_space<vmem_shared>> -> memref<128x128xf32, #tpu.memory_space<vmem_shared>>
        %dma_wait3A_38 = arith.constant 0 : i32
        %dma_wait3A_39 = tpu.memref_slice %arg10[%add3A_30, %dma_wait3A_38] : memref<10240x128xf32, #tpu.memory_space<vmem_shared>> -> memref<128x128xf32, #tpu.memory_space<vmem_shared>>
        tpu.wait_dma2 semaphore(%run_scoped3A : memref<!tpu.dma_semaphore, #tpu.memory_space<semaphore_mem>>) src(%dma_wait3A_39 : memref<128x128xf32, #tpu.memory_space<vmem_shared>>) dst(%arg9 : memref<128x128xf32, #tpu.memory_space<vmem>>)
        tpu.yield
      }) : () -> ()
      %mul3A_31 = arith.constant 10240 : i32
      %mul3A_32 = arith.muli %arg0, %mul3A_31 : i32
      %add3A_33 = arith.addi %mul3A_32, %add3A_30 : i32
      "tpu.region"() ({
        %run_scoped3A = tpu.sem_alloc : memref<!tpu.dma_semaphore, #tpu.memory_space<semaphore_mem>>
        %dma_start3A = arith.constant 0 : i32
        %dma_start3A_34 = tpu.memref_slice %arg6[%add3A_33, %dma_start3A] : memref<20480x128xf32, #tpu.memory_space<hbm>> -> memref<128x128xf32, #tpu.memory_space<hbm>>
        %dma_start3A_35 = arith.constant 0 : i32
        %dma_start3A_36 = tpu.memref_slice %arg6[%add3A_33, %dma_start3A_35] : memref<20480x128xf32, #tpu.memory_space<hbm>> -> memref<128x128xf32, #tpu.memory_space<hbm>>
        tpu.enqueue_dma source(%arg9 : memref<128x128xf32, #tpu.memory_space<vmem>>) target(%dma_start3A_36 : memref<128x128xf32, #tpu.memory_space<hbm>>) target_semaphore(%run_scoped3A : memref<!tpu.dma_semaphore, #tpu.memory_space<semaphore_mem>>)
        %dma_wait3A = arith.constant 0 : i32
        %dma_wait3A_37 = tpu.memref_slice %arg6[%add3A_33, %dma_wait3A] : memref<20480x128xf32, #tpu.memory_space<hbm>> -> memref<128x128xf32, #tpu.memory_space<hbm>>
        %dma_wait3A_38 = arith.constant 0 : i32
        %dma_wait3A_39 = tpu.memref_slice %arg6[%add3A_33, %dma_wait3A_38] : memref<20480x128xf32, #tpu.memory_space<hbm>> -> memref<128x128xf32, #tpu.memory_space<hbm>>
        tpu.wait_dma2 semaphore(%run_scoped3A : memref<!tpu.dma_semaphore, #tpu.memory_space<semaphore_mem>>) src(%arg9 : memref<128x128xf32, #tpu.memory_space<vmem>>) dst(%dma_wait3A_39 : memref<128x128xf32, #tpu.memory_space<hbm>>)
        tpu.yield
      }) : () -> ()
    }
    %scan3A_26 = arith.constant 5 : i32
    return
  }
}

module attributes {stable_mosaic.version = 14 : i64} {
  func.func @_proj_body(%arg0: memref<10000x128xf32, #tpu.memory_space<vmem>>, %arg1: memref<128x128xf32, #tpu.memory_space<vmem>>, %arg2: memref<1x128xf32, #tpu.memory_space<vmem>>, %arg3: memref<10000x128xf32, #tpu.memory_space<vmem>>) attributes {dimension_semantics = [], scalar_prefetch = 0 : i64, scratch_operands = 0 : i64, tpu.core_type = #tpu.core_type<tc>} {
    %get3A = arith.constant 0 : index
    %get3A_0 = arith.constant 0 : index
    %get3A_1 = vector.load %arg0[%get3A, %get3A_0] : memref<10000x128xf32, #tpu.memory_space<vmem>>, vector<10000x128xf32>
    %get3A_2 = arith.constant 0 : index
    %get3A_3 = arith.constant 0 : index
    %get3A_4 = vector.load %arg1[%get3A_2, %get3A_3] : memref<128x128xf32, #tpu.memory_space<vmem>>, vector<128x128xf32>
    %dot_general3A = arith.constant dense<0.000000e+00> : vector<10000x128xf32>
    %dot_general3A_5 = tpu.matmul %get3A_1, %get3A_4, %dot_general3A {dimension_numbers = #tpu.dot_dimension_numbers<[1], [1], [0], [0], [0, 0, 1, 0], [], []>, precision = #tpu.contract_precision<fp32>, transpose_lhs_hint = false} : vector<10000x128xf32>, vector<128x128xf32>, vector<10000x128xf32> -> vector<10000x128xf32>
    %get3A_6 = arith.constant 0 : index
    %get3A_7 = arith.constant 0 : index
    %get3A_8 = vector.load %arg2[%get3A_6, %get3A_7] : memref<1x128xf32, #tpu.memory_space<vmem>>, vector<1x128xf32>
    %add3A = vector.broadcast %get3A_8 : vector<1x128xf32> to vector<10000x128xf32>
    %add3A_9 = arith.addf %dot_general3A_5, %add3A : vector<10000x128xf32>
    %swap3A = arith.constant 0 : index
    %swap3A_10 = arith.constant 0 : index
    %swap3A_11 = vector.load %arg3[%swap3A, %swap3A_10] : memref<10000x128xf32, #tpu.memory_space<vmem>>, vector<10000x128xf32>
    tpu.vector_store %arg3[%swap3A, %swap3A_10], %add3A_9 {strides = array<i32>} : memref<10000x128xf32, #tpu.memory_space<vmem>>, vector<10000x128xf32>,
    return
  }
}

module attributes {stable_mosaic.version = 14 : i64} {
  func.func @_layer_body(%arg0: memref<10000x128xf32, #tpu.memory_space<vmem>>, %arg1: memref<10000x128xf32, #tpu.memory_space<vmem>>, %arg2: memref<10000x128xf32, #tpu.memory_space<vmem>>, %arg3: memref<2x10240xf32, #tpu.memory_space<vmem>>, %arg4: memref<128x128xf32, #tpu.memory_space<vmem>>, %arg5: memref<1x128xf32, #tpu.memory_space<vmem>>, %arg6: memref<128x128xf32, #tpu.memory_space<vmem>>, %arg7: memref<1x128xf32, #tpu.memory_space<vmem>>, %arg8: memref<1x128xf32, #tpu.memory_space<vmem>>, %arg9: memref<1x128xf32, #tpu.memory_space<vmem>>, %arg10: memref<10000x128xf32, #tpu.memory_space<vmem>>) attributes {dimension_semantics = [], scalar_prefetch = 0 : i64, scratch_operands = 0 : i64, tpu.core_type = #tpu.core_type<tc>} {
    %get3A = arith.constant 0 : index
    %get3A_0 = arith.constant 0 : index
    %get3A_1 = vector.load %arg3[%get3A, %get3A_0] : memref<2x10240xf32, #tpu.memory_space<vmem>>, vector<1x10000xf32>
    %get3A_2 = vector.shape_cast %get3A_1 : vector<1x10000xf32> to vector<10000xf32>
    %get3A_3 = arith.constant 1 : index
    %get3A_4 = arith.constant 0 : index
    %get3A_5 = vector.load %arg3[%get3A_3, %get3A_4] : memref<2x10240xf32, #tpu.memory_space<vmem>>, vector<1x10000xf32>
    %get3A_6 = vector.shape_cast %get3A_5 : vector<1x10000xf32> to vector<10000xf32>
    %add3A = arith.addf %get3A_2, %get3A_6 : vector<10000xf32>
    %max3A = arith.constant 1.000000e+00 : f32
    %max3A_7 = vector.broadcast %max3A : f32 to vector<10000xf32>
    %max3A_8 = arith.maximumf %add3A, %max3A_7 : vector<10000xf32>
    %div3A = arith.constant 1.000000e+00 : f32
    %div3A_9 = vector.broadcast %div3A : f32 to vector<10000xf32>
    %div3A_10 = arith.divf %div3A_9, %max3A_8 : vector<10000xf32>
    %get3A_11 = arith.constant 0 : index
    %get3A_12 = arith.constant 0 : index
    %get3A_13 = vector.load %arg1[%get3A_11, %get3A_12] : memref<10000x128xf32, #tpu.memory_space<vmem>>, vector<10000x128xf32>
    %get3A_14 = arith.constant 0 : index
    %get3A_15 = arith.constant 0 : index
    %get3A_16 = vector.load %arg2[%get3A_14, %get3A_15] : memref<10000x128xf32, #tpu.memory_space<vmem>>, vector<10000x128xf32>
    %add3A_17 = arith.addf %get3A_13, %get3A_16 : vector<10000x128xf32>
    %broadcast_in_dim3A = vector.shape_cast %div3A_10 : vector<10000xf32> to vector<10000x1xf32>
    %mul3A = vector.broadcast %broadcast_in_dim3A : vector<10000x1xf32> to vector<10000x128xf32>
    %mul3A_18 = arith.mulf %add3A_17, %mul3A : vector<10000x128xf32>
    %get3A_19 = arith.constant 0 : index
    %get3A_20 = arith.constant 0 : index
    %get3A_21 = vector.load %arg4[%get3A_19, %get3A_20] : memref<128x128xf32, #tpu.memory_space<vmem>>, vector<128x128xf32>
    %dot_general3A = arith.constant dense<0.000000e+00> : vector<10000x128xf32>
    %dot_general3A_22 = tpu.matmul %mul3A_18, %get3A_21, %dot_general3A {dimension_numbers = #tpu.dot_dimension_numbers<[1], [1], [0], [0], [0, 0, 1, 0], [], []>, precision = #tpu.contract_precision<fp32>, transpose_lhs_hint = false} : vector<10000x128xf32>, vector<128x128xf32>, vector<10000x128xf32> -> vector<10000x128xf32>
    %get3A_23 = arith.constant 0 : index
    %get3A_24 = arith.constant 0 : index
    %get3A_25 = vector.load %arg5[%get3A_23, %get3A_24] : memref<1x128xf32, #tpu.memory_space<vmem>>, vector<1x128xf32>
    %add3A_26 = vector.broadcast %get3A_25 : vector<1x128xf32> to vector<10000x128xf32>
    %add3A_27 = arith.addf %dot_general3A_22, %add3A_26 : vector<10000x128xf32>
    %max3A_28 = arith.constant 0.000000e+00 : f32
    %max3A_29 = vector.broadcast %max3A_28 : f32 to vector<10000x128xf32>
    %max3A_30 = arith.maximumf %add3A_27, %max3A_29 : vector<10000x128xf32>
    %get3A_31 = arith.constant 0 : index
    %get3A_32 = arith.constant 0 : index
    %get3A_33 = vector.load %arg6[%get3A_31, %get3A_32] : memref<128x128xf32, #tpu.memory_space<vmem>>, vector<128x128xf32>
    %dot_general3A_34 = arith.constant dense<0.000000e+00> : vector<10000x128xf32>
    %dot_general3A_35 = tpu.matmul %max3A_30, %get3A_33, %dot_general3A_34 {dimension_numbers = #tpu.dot_dimension_numbers<[1], [1], [0], [0], [0, 0, 1, 0], [], []>, precision = #tpu.contract_precision<fp32>, transpose_lhs_hint = false} : vector<10000x128xf32>, vector<128x128xf32>, vector<10000x128xf32> -> vector<10000x128xf32>
    %get3A_36 = arith.constant 0 : index
    %get3A_37 = arith.constant 0 : index
    %get3A_38 = vector.load %arg7[%get3A_36, %get3A_37] : memref<1x128xf32, #tpu.memory_space<vmem>>, vector<1x128xf32>
    %add3A_39 = vector.broadcast %get3A_38 : vector<1x128xf32> to vector<10000x128xf32>
    %add3A_40 = arith.addf %dot_general3A_35, %add3A_39 : vector<10000x128xf32>
    %get3A_41 = arith.constant 0 : index
    %get3A_42 = arith.constant 0 : index
    %get3A_43 = vector.load %arg0[%get3A_41, %get3A_42] : memref<10000x128xf32, #tpu.memory_space<vmem>>, vector<10000x128xf32>
    %add3A_44 = arith.addf %get3A_43, %add3A_40 : vector<10000x128xf32>
    %reduce_sum3A = arith.constant dense<0.000000e+00> : vector<10000xf32>
    %reduce_sum3A_45 = vector.multi_reduction <add>, %add3A_44, %reduce_sum3A [1] : vector<10000x128xf32> to vector<10000xf32>
    %broadcast_in_dim3A_46 = vector.shape_cast %reduce_sum3A_45 : vector<10000xf32> to vector<10000x1xf32>
    %div3A_47 = arith.constant 1.280000e+02 : f32
    %div3A_48 = vector.broadcast %div3A_47 : f32 to vector<10000x1xf32>
    %div3A_49 = arith.divf %broadcast_in_dim3A_46, %div3A_48 : vector<10000x1xf32>
    %sub3A = vector.broadcast %div3A_49 : vector<10000x1xf32> to vector<10000x128xf32>
    %sub3A_50 = arith.subf %add3A_44, %sub3A : vector<10000x128xf32>
    %integer_pow3A = arith.mulf %sub3A_50, %sub3A_50 : vector<10000x128xf32>
    %reduce_sum3A_51 = arith.constant dense<0.000000e+00> : vector<10000xf32>
    %reduce_sum3A_52 = vector.multi_reduction <add>, %integer_pow3A, %reduce_sum3A_51 [1] : vector<10000x128xf32> to vector<10000xf32>
    %broadcast_in_dim3A_53 = vector.shape_cast %reduce_sum3A_52 : vector<10000xf32> to vector<10000x1xf32>
    %div3A_54 = arith.constant 1.280000e+02 : f32
    %div3A_55 = vector.broadcast %div3A_54 : f32 to vector<10000x1xf32>
    %div3A_56 = arith.divf %broadcast_in_dim3A_53, %div3A_55 : vector<10000x1xf32>
    %sub3A_57 = vector.broadcast %div3A_49 : vector<10000x1xf32> to vector<10000x128xf32>
    %sub3A_58 = arith.subf %add3A_44, %sub3A_57 : vector<10000x128xf32>
    %add3A_59 = arith.constant 9.99999974E-6 : f32
    %add3A_60 = vector.broadcast %add3A_59 : f32 to vector<10000x1xf32>
    %add3A_61 = arith.addf %div3A_56, %add3A_60 : vector<10000x1xf32>
    %rsqrt3A = math.rsqrt %add3A_61 : vector<10000x1xf32>
    %mul3A_62 = vector.broadcast %rsqrt3A : vector<10000x1xf32> to vector<10000x128xf32>
    %mul3A_63 = arith.mulf %sub3A_58, %mul3A_62 : vector<10000x128xf32>
    %get3A_64 = arith.constant 0 : index
    %get3A_65 = arith.constant 0 : index
    %get3A_66 = vector.load %arg8[%get3A_64, %get3A_65] : memref<1x128xf32, #tpu.memory_space<vmem>>, vector<1x128xf32>
    %mul3A_67 = vector.broadcast %get3A_66 : vector<1x128xf32> to vector<10000x128xf32>
    %mul3A_68 = arith.mulf %mul3A_63, %mul3A_67 : vector<10000x128xf32>
    %get3A_69 = arith.constant 0 : index
    %get3A_70 = arith.constant 0 : index
    %get3A_71 = vector.load %arg9[%get3A_69, %get3A_70] : memref<1x128xf32, #tpu.memory_space<vmem>>, vector<1x128xf32>
    %add3A_72 = vector.broadcast %get3A_71 : vector<1x128xf32> to vector<10000x128xf32>
    %add3A_73 = arith.addf %mul3A_68, %add3A_72 : vector<10000x128xf32>
    %swap3A = arith.constant 0 : index
    %swap3A_74 = arith.constant 0 : index
    %swap3A_75 = vector.load %arg10[%swap3A, %swap3A_74] : memref<10000x128xf32, #tpu.memory_space<vmem>>, vector<10000x128xf32>
    tpu.vector_store %arg10[%swap3A, %swap3A_74], %add3A_73 {strides = array<i32>} : memref<10000x128xf32, #tpu.memory_space<vmem>>, vector<10000x128xf32>,
    return
  }
}

module attributes {stable_mosaic.version = 14 : i64} {
  func.func @_layer_body(%arg0: memref<10000x128xf32, #tpu.memory_space<vmem>>, %arg1: memref<10000x128xf32, #tpu.memory_space<vmem>>, %arg2: memref<10000x128xf32, #tpu.memory_space<vmem>>, %arg3: memref<2x10240xf32, #tpu.memory_space<vmem>>, %arg4: memref<128x128xf32, #tpu.memory_space<vmem>>, %arg5: memref<1x128xf32, #tpu.memory_space<vmem>>, %arg6: memref<128x128xf32, #tpu.memory_space<vmem>>, %arg7: memref<1x128xf32, #tpu.memory_space<vmem>>, %arg8: memref<1x128xf32, #tpu.memory_space<vmem>>, %arg9: memref<1x128xf32, #tpu.memory_space<vmem>>, %arg10: memref<10000x128xf32, #tpu.memory_space<vmem>>) attributes {dimension_semantics = [], scalar_prefetch = 0 : i64, scratch_operands = 0 : i64, tpu.core_type = #tpu.core_type<tc>} {
    %get3A = arith.constant 0 : index
    %get3A_0 = arith.constant 0 : index
    %get3A_1 = vector.load %arg3[%get3A, %get3A_0] : memref<2x10240xf32, #tpu.memory_space<vmem>>, vector<1x10000xf32>
    %get3A_2 = vector.shape_cast %get3A_1 : vector<1x10000xf32> to vector<10000xf32>
    %get3A_3 = arith.constant 1 : index
    %get3A_4 = arith.constant 0 : index
    %get3A_5 = vector.load %arg3[%get3A_3, %get3A_4] : memref<2x10240xf32, #tpu.memory_space<vmem>>, vector<1x10000xf32>
    %get3A_6 = vector.shape_cast %get3A_5 : vector<1x10000xf32> to vector<10000xf32>
    %add3A = arith.addf %get3A_2, %get3A_6 : vector<10000xf32>
    %max3A = arith.constant 1.000000e+00 : f32
    %max3A_7 = vector.broadcast %max3A : f32 to vector<10000xf32>
    %max3A_8 = arith.maximumf %add3A, %max3A_7 : vector<10000xf32>
    %div3A = arith.constant 1.000000e+00 : f32
    %div3A_9 = vector.broadcast %div3A : f32 to vector<10000xf32>
    %div3A_10 = arith.divf %div3A_9, %max3A_8 : vector<10000xf32>
    %get3A_11 = arith.constant 0 : index
    %get3A_12 = arith.constant 0 : index
    %get3A_13 = vector.load %arg1[%get3A_11, %get3A_12] : memref<10000x128xf32, #tpu.memory_space<vmem>>, vector<10000x128xf32>
    %get3A_14 = arith.constant 0 : index
    %get3A_15 = arith.constant 0 : index
    %get3A_16 = vector.load %arg2[%get3A_14, %get3A_15] : memref<10000x128xf32, #tpu.memory_space<vmem>>, vector<10000x128xf32>
    %add3A_17 = arith.addf %get3A_13, %get3A_16 : vector<10000x128xf32>
    %broadcast_in_dim3A = vector.shape_cast %div3A_10 : vector<10000xf32> to vector<10000x1xf32>
    %mul3A = vector.broadcast %broadcast_in_dim3A : vector<10000x1xf32> to vector<10000x128xf32>
    %mul3A_18 = arith.mulf %add3A_17, %mul3A : vector<10000x128xf32>
    %get3A_19 = arith.constant 0 : index
    %get3A_20 = arith.constant 0 : index
    %get3A_21 = vector.load %arg4[%get3A_19, %get3A_20] : memref<128x128xf32, #tpu.memory_space<vmem>>, vector<128x128xf32>
    %dot_general3A = arith.constant dense<0.000000e+00> : vector<10000x128xf32>
    %dot_general3A_22 = tpu.matmul %mul3A_18, %get3A_21, %dot_general3A {dimension_numbers = #tpu.dot_dimension_numbers<[1], [1], [0], [0], [0, 0, 1, 0], [], []>, precision = #tpu.contract_precision<fp32>, transpose_lhs_hint = false} : vector<10000x128xf32>, vector<128x128xf32>, vector<10000x128xf32> -> vector<10000x128xf32>
    %get3A_23 = arith.constant 0 : index
    %get3A_24 = arith.constant 0 : index
    %get3A_25 = vector.load %arg5[%get3A_23, %get3A_24] : memref<1x128xf32, #tpu.memory_space<vmem>>, vector<1x128xf32>
    %add3A_26 = vector.broadcast %get3A_25 : vector<1x128xf32> to vector<10000x128xf32>
    %add3A_27 = arith.addf %dot_general3A_22, %add3A_26 : vector<10000x128xf32>
    %max3A_28 = arith.constant 0.000000e+00 : f32
    %max3A_29 = vector.broadcast %max3A_28 : f32 to vector<10000x128xf32>
    %max3A_30 = arith.maximumf %add3A_27, %max3A_29 : vector<10000x128xf32>
    %get3A_31 = arith.constant 0 : index
    %get3A_32 = arith.constant 0 : index
    %get3A_33 = vector.load %arg6[%get3A_31, %get3A_32] : memref<128x128xf32, #tpu.memory_space<vmem>>, vector<128x128xf32>
    %dot_general3A_34 = arith.constant dense<0.000000e+00> : vector<10000x128xf32>
    %dot_general3A_35 = tpu.matmul %max3A_30, %get3A_33, %dot_general3A_34 {dimension_numbers = #tpu.dot_dimension_numbers<[1], [1], [0], [0], [0, 0, 1, 0], [], []>, precision = #tpu.contract_precision<fp32>, transpose_lhs_hint = false} : vector<10000x128xf32>, vector<128x128xf32>, vector<10000x128xf32> -> vector<10000x128xf32>
    %get3A_36 = arith.constant 0 : index
    %get3A_37 = arith.constant 0 : index
    %get3A_38 = vector.load %arg7[%get3A_36, %get3A_37] : memref<1x128xf32, #tpu.memory_space<vmem>>, vector<1x128xf32>
    %add3A_39 = vector.broadcast %get3A_38 : vector<1x128xf32> to vector<10000x128xf32>
    %add3A_40 = arith.addf %dot_general3A_35, %add3A_39 : vector<10000x128xf32>
    %get3A_41 = arith.constant 0 : index
    %get3A_42 = arith.constant 0 : index
    %get3A_43 = vector.load %arg0[%get3A_41, %get3A_42] : memref<10000x128xf32, #tpu.memory_space<vmem>>, vector<10000x128xf32>
    %add3A_44 = arith.addf %get3A_43, %add3A_40 : vector<10000x128xf32>
    %reduce_sum3A = arith.constant dense<0.000000e+00> : vector<10000xf32>
    %reduce_sum3A_45 = vector.multi_reduction <add>, %add3A_44, %reduce_sum3A [1] : vector<10000x128xf32> to vector<10000xf32>
    %broadcast_in_dim3A_46 = vector.shape_cast %reduce_sum3A_45 : vector<10000xf32> to vector<10000x1xf32>
    %div3A_47 = arith.constant 1.280000e+02 : f32
    %div3A_48 = vector.broadcast %div3A_47 : f32 to vector<10000x1xf32>
    %div3A_49 = arith.divf %broadcast_in_dim3A_46, %div3A_48 : vector<10000x1xf32>
    %sub3A = vector.broadcast %div3A_49 : vector<10000x1xf32> to vector<10000x128xf32>
    %sub3A_50 = arith.subf %add3A_44, %sub3A : vector<10000x128xf32>
    %integer_pow3A = arith.mulf %sub3A_50, %sub3A_50 : vector<10000x128xf32>
    %reduce_sum3A_51 = arith.constant dense<0.000000e+00> : vector<10000xf32>
    %reduce_sum3A_52 = vector.multi_reduction <add>, %integer_pow3A, %reduce_sum3A_51 [1] : vector<10000x128xf32> to vector<10000xf32>
    %broadcast_in_dim3A_53 = vector.shape_cast %reduce_sum3A_52 : vector<10000xf32> to vector<10000x1xf32>
    %div3A_54 = arith.constant 1.280000e+02 : f32
    %div3A_55 = vector.broadcast %div3A_54 : f32 to vector<10000x1xf32>
    %div3A_56 = arith.divf %broadcast_in_dim3A_53, %div3A_55 : vector<10000x1xf32>
    %sub3A_57 = vector.broadcast %div3A_49 : vector<10000x1xf32> to vector<10000x128xf32>
    %sub3A_58 = arith.subf %add3A_44, %sub3A_57 : vector<10000x128xf32>
    %add3A_59 = arith.constant 9.99999974E-6 : f32
    %add3A_60 = vector.broadcast %add3A_59 : f32 to vector<10000x1xf32>
    %add3A_61 = arith.addf %div3A_56, %add3A_60 : vector<10000x1xf32>
    %rsqrt3A = math.rsqrt %add3A_61 : vector<10000x1xf32>
    %mul3A_62 = vector.broadcast %rsqrt3A : vector<10000x1xf32> to vector<10000x128xf32>
    %mul3A_63 = arith.mulf %sub3A_58, %mul3A_62 : vector<10000x128xf32>
    %get3A_64 = arith.constant 0 : index
    %get3A_65 = arith.constant 0 : index
    %get3A_66 = vector.load %arg8[%get3A_64, %get3A_65] : memref<1x128xf32, #tpu.memory_space<vmem>>, vector<1x128xf32>
    %mul3A_67 = vector.broadcast %get3A_66 : vector<1x128xf32> to vector<10000x128xf32>
    %mul3A_68 = arith.mulf %mul3A_63, %mul3A_67 : vector<10000x128xf32>
    %get3A_69 = arith.constant 0 : index
    %get3A_70 = arith.constant 0 : index
    %get3A_71 = vector.load %arg9[%get3A_69, %get3A_70] : memref<1x128xf32, #tpu.memory_space<vmem>>, vector<1x128xf32>
    %add3A_72 = vector.broadcast %get3A_71 : vector<1x128xf32> to vector<10000x128xf32>
    %add3A_73 = arith.addf %mul3A_68, %add3A_72 : vector<10000x128xf32>
    %swap3A = arith.constant 0 : index
    %swap3A_74 = arith.constant 0 : index
    %swap3A_75 = vector.load %arg10[%swap3A, %swap3A_74] : memref<10000x128xf32, #tpu.memory_space<vmem>>, vector<10000x128xf32>
    tpu.vector_store %arg10[%swap3A, %swap3A_74], %add3A_73 {strides = array<i32>} : memref<10000x128xf32, #tpu.memory_space<vmem>>, vector<10000x128xf32>,
    return
  }
}

</mosaic_0001>

<sc_bundles>
// kernel: kernel.10.cloned.1.call-start
scs
__scs_entry_jumppad:
0x0: {  	(pc) =	sbr.rel $0x88, $3  }
0x1: {  	(tag) =	ssettag $0x0;
	lr =	simm.s32 $0x1  }
0x2: {  	[smem:$0x3F97] =	sst lr;
	_ =	strace $0xD0000000  }
0x3: {  	_ = 	snop  }
0x4: {  	_ = 	snop  }
0x5: {  	_ = 	snop  }
0x6: {  	_ = 	snop  }
0x7: {  	_ = 	snop  }
__scs_overlays_trampoline_lowered:
0x8: {  	[smem:$0x3FA6] =	sst s0  }
0x9: {  	[smem:$0x3FA7] =	sst s1  }
0xa: {  	[smem:$0x3FA8] =	sst s2  }
0xb: {  	[smem:$0x3FA9] =	sst s3  }
0xc: {  	[smem:$0x3FAA] =	sst s4  }
0xd: {  	[smem:$0x3FAB] =	sst s5  }
0xe: {  	[smem:$0x3FAC] =	sst s6  }
0xf: {  	[smem:$0x3FAD] =	sst s7  }
0x10: {  	[smem:$0x3FAE] =	sst s8  }
0x11: {  	[smem:$0x3FAF] =	sst s9;
	s0 =	simm.s32 @!p0 $0x0  }
0x12: {  	s1 =	sld [smem:$0x3F95];
	s0 =	simm.s32 @p0 $0x1  }
0x13: {  	[smem:$0x3FB0] =	sst s0;
	s0 =	simm.s32 @!p1 $0x0  }
0x14: {  	s2 =	sld [smem:$0x3F94];
	s0 =	simm.s32 @p1 $0x1  }
0x15: {  	[smem:$0x3FB1] =	sst s0;
	s0 =	simm.s32 @!p2 $0x0  }
0x16: {  	s3 =	sld [smem:$0x3FDB];
	s0 =	simm.s32 @p2 $0x1  }
0x17: {  	s4 =	simm.s32 $0x1BF5;
	[smem:$0x3FB3] =	sst s0  }
0x18: {  	s0 =	sld [smem:$0x3F96];
	_ =	swait.ge [sflag:s4], $0x0  }
0x19: {  	s7 =	sld [smem:$0x3F97]  }
0x1a: {  	s8 =	sadd.s32 $0xFFFFE003, lr  }
0x1b: {  	s9 =	sadd.s32 $0xFFFFFEF7, lr;
	s5 =	simm.s32 $0xFFFFFFFF;
	p2 =	slt.u32 s8, $0xFFFFF086  }
0x1c: {  	p1 =	slt.u32 s9, $0xF7A;
	s5 =	simm.s32 @!p2 $0x0  }
0x1d: {  	s5 =	simm.s32 @p1 $0x1;
	p0 =	seq.s32 s7, s2  }
0x1e: {  	s7 =	smul.u32 @!p0 $0xF7A, s2;
	p2 =	seq.s32 @!p0 s5, $0x0  }
0x1f: {  	s9 =	smul.u32 $0xF7A, s1;
	s8 =	simm.s32 @!p0 $0x1BF5;
	p2 =	por !p2, p0  }
0x20: {  	[sflag:s8] =	ssyncset.s32 @!p0 $0xFFFFF086;
	s6 =	sadd.s32 @!p0 s3, s7;
	s7 =	simm.s32 @!p0 $0x108  }
0x21: {  	s3 =	sadd.s32 s3, s9;
	s6 =	sadd.s32 @!p0 $0x88, s6;
	s7 =	simm.s32 @p2 $0x1082  }
0x22: {  	[simem:s7], [sflag:s8] =	dma.local @!p0 [hbm:s6], $0xF7A  }
0x23: {  	s9 =	sor.u32 $0xD0000000, s2;
	s6 =	simm.s32 $0x108;
	_ =	swait.ge @!p0 [sflag:s8], $0x0  }
0x24: {  	s3 =	sadd.s32 $0x88, s3;
	s6 =	simm.s32 @!p1 $0x1082;
	[sflag:s4] =	ssyncset.s32 $0xFFFFF086  }
0x25: {  	[simem:s6], [sflag:s4] =	dma.local [hbm:s3], $0xF7A  }
0x26: {  	[smem:$0x3F97] =	sst s1;
	(tag) =	ssettag s2;
	_ =	strace s9  }
0x27: {  	s1 =	sld [smem:$0x3FA7]  }
0x28: {  	s2 =	sld [smem:$0x3FA8]  }
0x29: {  	s4 =	sld [smem:$0x3FAA]  }
0x2a: {  	p0 =	seq.s32 s5, $0x0;
	s5 =	sld [smem:$0x3FAB]  }
0x2b: {  	s6 =	sld [smem:$0x3FAC]  }
0x2c: {  	s7 =	sld [smem:$0x3FAD]  }
0x2d: {  	s3 =	simm.s32 $0x108;
	s8 =	sld [smem:$0x3FAE]  }
0x2e: {  	s3 =	simm.s32 @!p0 $0x1082;
	s9 =	sld [smem:$0x3FAF]  }
0x2f: {  	lr =	sadd.s32 s0, s3;
	s0 =	sld [smem:$0x3FA6]  }
0x30: {  	s3 =	sld [smem:$0x3FA9]  }
0x31: {  	[smem:$0x3FB2] =	sst s10  }
0x32: {  	s10 =	sld [smem:$0x3FB0];
	_ =	sdelay $0x3  }
0x33: {  	p0 =	seq.s32 s10, $0x1;
	s10 =	sld [smem:$0x3FB2];
	_ =	sdelay $0x3  }
0x34: {  	[smem:$0x3FB2] =	sst s10  }
0x35: {  	s10 =	sld [smem:$0x3FB1];
	_ =	sdelay $0x3  }
0x36: {  	p1 =	seq.s32 s10, $0x1;
	s10 =	sld [smem:$0x3FB2];
	_ =	sdelay $0x3  }
0x37: {  	[smem:$0x3FB2] =	sst s10  }
0x38: {  	s10 =	sld [smem:$0x3FB3]  }
0x39: {  	_ = 	snop;
	(pc) =	sbr.ind lr, $3  }
0x3a: {  	_ = 	snop  }
0x3b: {  	_ = 	snop  }
0x3c: {  	p2 =	seq.s32 s10, $0x1;
	s10 =	sld [smem:$0x3FB2]  }
0x3d: {  	_ =	shalt  }
0x3e: {  	_ =	shalt  }
0x3f: {  	_ =	shalt  }
0x40: {  	_ =	shalt  }
0x41: {  	_ =	shalt  }
0x42: {  	_ =	shalt  }
0x43: {  	_ =	shalt  }
0x44: {  	_ =	shalt  }
0x45: {  	_ =	shalt  }
0x46: {  	_ =	shalt  }
0x47: {  	_ =	shalt  }
0x48: {  	_ =	shalt  }
0x49: {  	_ =	shalt  }
0x4a: {  	_ =	shalt  }
0x4b: {  	_ =	shalt  }
0x4c: {  	_ =	shalt  }
0x4d: {  	_ =	shalt  }
0x4e: {  	_ =	shalt  }
0x4f: {  	_ =	shalt  }
0x50: {  	_ =	shalt  }
0x51: {  	_ =	shalt  }
0x52: {  	_ =	shalt  }
0x53: {  	_ =	shalt  }
0x54: {  	_ =	shalt  }
0x55: {  	_ =	shalt  }
0x56: {  	_ =	shalt  }
0x57: {  	_ =	shalt  }
0x58: {  	_ =	shalt  }
0x59: {  	_ =	shalt  }
0x5a: {  	_ =	shalt  }
0x5b: {  	_ =	shalt  }
0x5c: {  	_ =	shalt  }
0x5d: {  	_ =	shalt  }
0x5e: {  	_ =	shalt  }
0x5f: {  	_ =	shalt  }
0x60: {  	_ =	shalt  }
0x61: {  	_ =	shalt  }
0x62: {  	_ =	shalt  }
0x63: {  	_ =	shalt  }
0x64: {  	_ =	shalt  }
0x65: {  	_ =	shalt  }
0x66: {  	_ =	shalt  }
0x67: {  	_ =	shalt  }
0x68: {  	_ =	shalt  }
0x69: {  	_ =	shalt  }
0x6a: {  	_ =	shalt  }
0x6b: {  	_ =	shalt  }
0x6c: {  	_ =	shalt  }
0x6d: {  	_ =	shalt  }
0x6e: {  	_ =	shalt  }
0x6f: {  	_ =	shalt  }
0x70: {  	_ =	shalt  }
0x71: {  	_ =	shalt  }
0x72: {  	_ =	shalt  }
0x73: {  	_ =	shalt  }
0x74: {  	_ =	shalt  }
0x75: {  	_ =	shalt  }
0x76: {  	_ =	shalt  }
0x77: {  	_ =	shalt  }
0x78: {  	_ =	shalt  }
0x79: {  	_ =	shalt  }
0x7a: {  	_ =	shalt  }
0x7b: {  	_ =	shalt  }
0x7c: {  	_ =	shalt  }
0x7d: {  	_ =	shalt  }
0x7e: {  	_ =	shalt  }
0x7f: {  	_ =	shalt  }
0x80: {  	_ =	shalt  }
0x81: {  	_ =	shalt  }
0x82: {  	_ =	shalt  }
0x83: {  	_ =	shalt  }
0x84: {  	_ =	shalt  }
0x85: {  	_ =	shalt  }
0x86: {  	_ =	shalt  }
0x87: {  	_ =	shalt  }
.Lfunc_end0:
.L_simem_size_0:
called_computation_lowered:
.L_overlay_start_0:
0x88: {  	s2 =	sld [smem:$0x3FD9]  }
0x89: {  	s3 =	sld [smem:$0x3FFE];
	_ =	sdelay $0x1  }
0x8a: {  	s1 =	srdreg.scid  }
0x8b: {  	s0 =	sand.u32 $0x1, s1  }
0x8c: {  	s16 =	sshll.u32 s0, $0xA;
	s2 =	sadd.s32 s3, s2  }
0x8d: {  	s2 =	sadd.s32 s2, s16  }
0x8e: {  	[smem:$0x3FBE] =	sst s2  }
0x8f: {  	_ = 	snop  }
0x90: {  	(tm) =	ssettm $0x1  }
0x91: {  	s17 =	sld [smem:$0x3FFB];
	_ =	sdelay $0x3  }
0x92: {  	_ =	strace s17  }
0x93: {  	s2 =	sld [smem:$0x3FFC];
	_ =	sdelay $0x3  }
0x94: {  	_ =	strace s2  }
0x95: {  	s2 =	sld [smem:$0x3FFD];
	_ =	sdelay $0x3  }
0x96: {  	_ =	strace s2  }
0x97: {  	_ =	strace $0x8FFFFFFF  }
0x98: {  	s18 =	sld [smem:$0x3FDB];
	_ =	sdelay $0x1  }
0x99: {  	s19 =	simm.s32 $_scs_section_size  }
0x9a: {  	s4 =	simm.s32 $_size__tile_overlayer_lowered;
	s5 =	simm.s32 $_tile_overlayer_lowered  }
0x9b: {  	s22 =	simm.s32 $0x1BFF;
	s21 =	sshll.u32 s5, $0x1;
	s2 =	sadd.s32 s19, s18  }
0x9c: {  	s6 =	simm.s32 $0x0;
	s20 =	sshll.u32 s4, $0x1;
	s4 =	sadd.s32 s21, s2  }
0x9d: {  	[timem:s6], [sflag:s22] =	dma.local [hbm:s4], s20  }
0x9e: {  	_ =	swait.ge [sflag:s22], s20  }
0x9f: {  	s3 =	ssub.s32 $0x0, s20;
	[sflag:s22] =	ssyncset.done $0x0  }
0xa0: {  	[sflag:s22] =	ssyncadd.s32 s3;
	_ =	sdelay $0x1  }
0xa1: {  	s23 =	simm.s32 $0x1B8B  }
0xa2: {  	_ =	swait.ge [sflag:s23], $0x1  }
0xa3: {  	[sflag:s23] =	ssyncset.done $0x0  }
0xa4: {  	s25 =	simm.s32 $0x1B8E;
	s24 =	sld [smem:$0x3FFE];
	[sflag:s23] =	ssyncadd.s32 $0xFFFFFFFF  }
0xa5: {  	s26 =	simm.s32 $execute0_lowered;
	[smem:$0x3FD2] =	sst s25  }
0xa6: {  	s4 =	sshll.u32 s26, $0x1;
	_ =	strace $0x80000046;
	[dreg:$0x1] =	wrdreg $0xFFFFFFFF  }
0xa7: {  	s28 =	simm.s32 $_size_execute0_lowered;
	s2 =	sadd.s32 s2, s4;
	[dreg:$0x0] =	wrdreg $0x0  }
0xa8: {  	s4 =	sshll.u32 s28, $0x1;
	[dreg:$0x2] =	wrdreg s2  }
0xa9: {  	[dreg:$0x3] =	wrdreg s4  }
0xaa: {  	[dreg:$0x4] =	wrdreg $0xC0  }
0xab: {  	_ =	task [dreg:s6], $0x5FFFF  }
0xac: {  	[dreg:$0x1] =	wrdreg $0xFFFFFFFF  }
0xad: {  	[dreg:$0x0] =	wrdreg $0x60  }
0xae: {  	[dreg:$0x2] =	wrdreg s24  }
0xaf: {  	[dreg:$0x3] =	wrdreg $0x40800  }
0xb0: {  	[dreg:$0x4] =	wrdreg $0x9  }
0xb1: {  	_ =	task.clear_ibuf [dreg:s6], $0x5FFFF;
	_ =	strace $0x90000046  }
0xb2: {  	s29 =	simm.s32 $0x9;
	_ =	strace $0x80000048  }
0xb3: {  	_ =	swait.ge [sflag:s29], $0x1  }
0xb4: {  	[sflag:s29] =	ssyncadd.s32 $0xFFFFFFFF  }
0xb5: {  	_ =	strace $0x90000048  }
0xb6: {  	_ =	sfence  }
0xb7: {  	s30 =	sld [smem:$0x0];
	_ =	sdelay $0x2  }
0xb8: {  	s31 =	sshll.u32 s1, $0xD;
	s1 =	sshrl.u32 s1, $0x2  }
0xb9: {  	s3 =	sand.u32 $0x4000, s31;
	s1 =	sadd.s32 s1, s30  }
0xba: {  	s0 =	sor.u32 s3, s0;
	s1 =	sshll.u32 s1, $0x11  }
0xbb: {  	s0 =	sor.u32 s1, s0  }
0xbc: {  	s0 =	sadd.s32 $0x8F2B, s0  }
0xbd: {  	[sflag:s0] =	ssyncadd.remote.s32 $0x1  }
0xbe: {  	_ =	sfence.sel $0xFFFF  }
0xbf: {  	[dreg:$0x0] =	wrdreg $0xFFFFFFFF;
	(pc) =	sbr.abs _section_cstart, $3  }
0xc0: {  	[dreg:$0x1] =	wrdreg $0xFFFFFFFF  }
0xc1: {  	_ =	task.clear_ibuf [dreg:s6], $0x2FFFF;
	_ =	strace $0x9FFFFFFF  }
0xc2: {  	(tm) =	ssettm $0x7FFFFFFF  }
0xc3: {  	_ =	shalt  }
tec
execute0_lowered:
.L_overlay_start_1:
0x0: {  	(tag) =	ssettag $0x1  }
0x1: {  	s0 =	stileid.u32  }
0x2: {  	s3 =	smul.u32 $0x62, s0  }
0x3: {  	s1 =	srdreg.scid;
	s4 =	smul.u32 $0x3E, s0  }
0x4: {  	s5 =	rddreg [dreg:$0x0];
	s8 =	smul.u32 $0x2800, s0  }
0x5: {  	s2 =	rddreg [dreg:$0x1];
	s6 =	sand.u32 $0x1, s1;
	s9 =	smul.u32 $0x50000, s0  }
0x6: {  	s1 =	rddreg [dreg:$0x2];
	s18 =	sadd.s32 $0x40800, s5;
	s16 =	smul.u32 $0x280, s0  }
0x7: {  	s25 =	sshll.u32 s0, $0x6;
	p0 =	seq.s32 s6, $0x0;
	s24 =	ssub.s32 $0x2, s6  }
0x8: {  	s17 =	smul.u32 $0x2800, s6;
	s7 =	sadd.s32 $0x3E0, s3;
	s3 =	simm.s32 $0x0  }
0x9: {  	s23 =	sadd.s32 s8, s5;
	s10 =	sshrl.u32 s24, $0x1;
	s9 =	sshrl.u32 s9, $0x2  }
0xa: {  	s8 =	sor.u32 $0x1C01, s25;
	s12 =	sadd.s32 $0x80, s16;
	s14 =	sadd.s32 $0x100, s16  }
0xb: {  	s20 =	sadd.s32 $0x180, s16;
	s7 =	smov.u32 @p0 s4;
	[smem:$0x7FF] =	sst s3  }
0xc: {  	s4 =	sadd.s32 $0x40000, s5;
	s10 =	ssub.s32 s24, s10;
	s6 =	sadd.s32 s9, s2  }
0xd: {  	s26 =	sadd.s32 s17, s16;
	s28 =	sadd.s32 s17, s12;
	s12 =	sshll.u32 s12, $0x7  }
0xe: {  	s29 =	sadd.s32 s17, s14;
	s14 =	sshll.u32 s14, $0x7;
	s30 =	sshll.u32 s20, $0x7  }
0xf: {  	s20 =	sadd.s32 s17, s20;
	s16 =	sadd.s32 $0x200, s16;
	s7 =	sshll.u32 s7, $0x4  }
0x10: {  	_ =	strace $0x80000047;
	s11 =	sshll.u32 s26, $0x4;
	s9 =	smax.u32 s10, $0x1  }
0x11: {  	s13 =	sshll.u32 s28, $0x4;
	s15 =	sshll.u32 s29, $0x4;
	s20 =	sshll.u32 s20, $0x4  }
0x12: {  	s21 =	sshll.u32 s16, $0x7;
	s22 =	sadd.s32 s17, s16;
	s19 =	sadd.s32 s7, s5  }
0x13: {  	s5 =	simm.s32 $0x3E;
	s7 =	sadd.s32 $0x18000, s23;
	s10 =	sadd.s32 s18, s11  }
0x14: {  	s11 =	sadd.s32 s12, s2;
	s12 =	sadd.s32 s18, s13;
	s13 =	sadd.s32 s14, s2  }
0x15: {  	s14 =	sadd.s32 s18, s15;
	s15 =	sadd.s32 s30, s2;
	s16 =	sadd.s32 s18, s20  }
0x16: {  	s17 =	sadd.s32 s21, s2;
	s31 =	sshll.u32 s22, $0x4;
	s20 =	sshrl.u32 s6, $0x3  }
0x17: {  	s21 =	simm.s32 $0x1;
	s22 =	simm.s32 $0x80;
	s23 =	simm.s32 $0x0  }
0x18: {  	s5 =	simm.s32 @!p0 $0x62;
	s18 =	sadd.s32 s18, s31;
	s19 =	sadd.s32 $0x4000, s19  }
.LBB2_1:
0x19: {  	[spmem:s20], [sflag:s8] =	dma.local [hbm:s7], $0x2800  }
0x1a: {  	_ =	swait.ge [sflag:s21], $0x2800  }
0x1b: {  	[sflag:s21] =	ssyncset.done $0x0  }
0x1c: {  	[sflag:s21] =	ssyncadd.s32 $0xFFFFD800  }
0x1d: {  	[tilespmem:s22], [sflag:$0x1] =	stream.linear.gather [hbm4b:s4+s3], $0x4000, $0x38;
	[tilespmem:$0x18080] =	vst v63  }
0x1e: {  	_ =	swait.ge [sflag:s21], $0x4000  }
0x1f: {  	[sflag:s21] =	ssyncset.done $0x0  }
0x20: {  	[sflag:s21] =	ssyncadd.s32 $0xFFFFC000  }
0x21: {  	[bflag:$0x0] =	sbarrier.arrive $0xFFFF  }
0x22: {  	[tilespmem:s3], [sflag:$0x1] =	stream.linear.gather [hbm4b:s19+s3], $0x80, $0x38;
	[tilespmem:$0x18080] =	vst v63  }
0x23: {  	p0 =	sne.s32 s5, $0x1;
	_ =	swait.ge [sflag:s21], $0x80  }
.Ltmp0:
0x24: {  	[sflag:s21] =	ssyncset.done $0x0;
	(pc) =	sbr.rel @!p0 .LBB2_3-.Ltmp0, $4  }
0x25: {  	[sflag:s21] =	ssyncadd.s32 $0xFFFFFF80  }
0x26: {  	[spmem:s2] =	stream.indirect.scatter.add.f32 [tilespmem:s22], [sflag:$0x1], $0x80, s3, s22, $0xb8;
	[tilespmem:$0x18080] =	vst v63  }
0x27: {  	_ =	swait.ge [sflag:s21], $0x4000  }
0x28: {  	s24 =	sadd.s32 $0xFFFFFFFF, s5;
	s25 =	smov.u32 s19;
	[sflag:s21] =	ssyncset.done $0x0  }
.LBB2_2:
0x29: {  	p0 =	sne.s32 s24, $0x1;
	[sflag:s21] =	ssyncadd.s32 $0xFFFFC000;
	s25 =	sadd.s32 $0x10, s25  }
0x2a: {  	[tilespmem:s3], [sflag:$0x1] =	stream.linear.gather [hbm4b:s25+s3], $0x80, $0x38;
	[tilespmem:$0x18080] =	vst v63  }
0x2b: {  	s24 =	sadd.s32 $0xFFFFFFFF, s24;
	_ =	swait.ge [sflag:s21], $0x80  }
.Ltmp1:
0x2c: {  	[sflag:s21] =	ssyncset.done $0x0;
	(pc) =	sbr.rel @p0 .LBB2_2-.Ltmp1, $4  }
0x2d: {  	[sflag:s21] =	ssyncadd.s32 $0xFFFFFF80  }
0x2e: {  	[spmem:s2] =	stream.indirect.scatter.add.f32 [tilespmem:s22], [sflag:$0x1], $0x80, s3, s22, $0xb8;
	[tilespmem:$0x18080] =	vst v63  }
0x2f: {  	_ =	swait.ge [sflag:s21], $0x4000  }
0x30: {  	[sflag:s21] =	ssyncset.done $0x0  }
.LBB2_3:
0x31: {  	[sflag:s21] =	ssyncadd.s32 $0xFFFFC000  }
0x32: {  	[bflag:$0x0] =	sbarrier.arrive $0xFFFF  }
0x33: {  	[tilespmem:s22], [sflag:$0x1] =	stream.linear.gather [spmem:s6], $0x4000, $0x38;
	[tilespmem:$0x18080] =	vst v63  }
0x34: {  	_ =	swait.ge [sflag:s21], $0x4000  }
0x35: {  	[sflag:s21] =	ssyncset.done $0x0  }
0x36: {  	[sflag:s21] =	ssyncadd.s32 $0xFFFFC000  }
0x37: {  	[hbm4b:s10+s3] =	stream.linear.scatter [tilespmem:s22], [sflag:$0x1], $0x4000, $0x38;
	[tilespmem:$0x18080] =	vst v63  }
0x38: {  	_ =	swait.ge [sflag:s21], $0x4000  }
0x39: {  	[sflag:s21] =	ssyncset.done $0x0  }
0x3a: {  	[sflag:s21] =	ssyncadd.s32 $0xFFFFC000  }
0x3b: {  	[tilespmem:s22], [sflag:$0x1] =	stream.linear.gather [spmem:s11], $0x4000, $0x38;
	[tilespmem:$0x18080] =	vst v63  }
0x3c: {  	_ =	swait.ge [sflag:s21], $0x4000  }
0x3d: {  	[sflag:s21] =	ssyncset.done $0x0  }
0x3e: {  	[sflag:s21] =	ssyncadd.s32 $0xFFFFC000  }
0x3f: {  	[hbm4b:s12+s3] =	stream.linear.scatter [tilespmem:s22], [sflag:$0x1], $0x4000, $0x38;
	[tilespmem:$0x18080] =	vst v63  }
0x40: {  	_ =	swait.ge [sflag:s21], $0x4000  }
0x41: {  	[sflag:s21] =	ssyncset.done $0x0  }
0x42: {  	[sflag:s21] =	ssyncadd.s32 $0xFFFFC000  }
0x43: {  	[tilespmem:s22], [sflag:$0x1] =	stream.linear.gather [spmem:s13], $0x4000, $0x38;
	[tilespmem:$0x18080] =	vst v63  }
0x44: {  	_ =	swait.ge [sflag:s21], $0x4000  }
0x45: {  	[sflag:s21] =	ssyncset.done $0x0  }
0x46: {  	[sflag:s21] =	ssyncadd.s32 $0xFFFFC000  }
0x47: {  	[hbm4b:s14+s3] =	stream.linear.scatter [tilespmem:s22], [sflag:$0x1], $0x4000, $0x38;
	[tilespmem:$0x18080] =	vst v63  }
0x48: {  	_ =	swait.ge [sflag:s21], $0x4000  }
0x49: {  	[sflag:s21] =	ssyncset.done $0x0  }
0x4a: {  	[sflag:s21] =	ssyncadd.s32 $0xFFFFC000  }
0x4b: {  	[tilespmem:s22], [sflag:$0x1] =	stream.linear.gather [spmem:s15], $0x4000, $0x38;
	[tilespmem:$0x18080] =	vst v63  }
0x4c: {  	_ =	swait.ge [sflag:s21], $0x4000  }
0x4d: {  	[sflag:s21] =	ssyncset.done $0x0  }
0x4e: {  	[sflag:s21] =	ssyncadd.s32 $0xFFFFC000  }
0x4f: {  	[hbm4b:s16+s3] =	stream.linear.scatter [tilespmem:s22], [sflag:$0x1], $0x4000, $0x38;
	[tilespmem:$0x18080] =	vst v63  }
0x50: {  	_ =	swait.ge [sflag:s21], $0x4000  }
0x51: {  	[sflag:s21] =	ssyncset.done $0x0  }
0x52: {  	[sflag:s21] =	ssyncadd.s32 $0xFFFFC000  }
0x53: {  	[tilespmem:s22], [sflag:$0x1] =	stream.linear.gather [spmem:s17], $0x4000, $0x38;
	[tilespmem:$0x18080] =	vst v63  }
0x54: {  	s23 =	sadd.s32 $0x1, s23;
	_ =	swait.ge [sflag:s21], $0x4000  }
0x55: {  	p0 =	sne.s32 s23, s9;
	[sflag:s21] =	ssyncset.done $0x0  }
.Ltmp2:
0x56: {  	[sflag:s21] =	ssyncadd.s32 $0xFFFFC000;
	(pc) =	sbr.rel @p0 .LBB2_1-.Ltmp2, $4  }
0x57: {  	[hbm4b:s18+s3] =	stream.linear.scatter [tilespmem:s22], [sflag:$0x1], $0x4000, $0x38;
	[tilespmem:$0x18080] =	vst v63  }
0x58: {  	_ =	swait.ge [sflag:s21], $0x4000  }
0x59: {  	[sflag:s21] =	ssyncset.done $0x0  }
0x5a: {  	[sflag:s21] =	ssyncadd.s32 $0xFFFFC000  }
0x5b: {  	_ =	sfence.sel $0x180000  }
0x5c: {  	[bflag:$0x0] =	sbarrier.arrive $0xFFFF  }
0x5d: {  	p0 =	sne.s32 s0, $0x0;
	_ =	strace $0x90000047  }
0x5e: {  	s0 =	sadd.s32 @!p0 $0x100000, s1;
	[bflag:$0x2] =	sbarrier.arrive $0xFFFF  }
0x5f: {  	[sflag:s0] =	ssyncadd.tile.s32 @!p0 $0x1;
	_ =	shalt  }
.Lfunc_end2:
_tile_overlayer_lowered:
.L_overlay_start_2:
0x60: {  	(tag) =	ssettag $0x2  }
0x61: {  	s0 =	rddreg [dreg:$0x0];
	s2 =	stileid.u32  }
0x62: {  	s1 =	rddreg [dreg:$0x1];
	p0 =	sne.s32 s2, $0x0  }
0x63: {  	s3 =	rddreg [dreg:$0x2];
	[bflag:$0x3] =	sbarrier.arrive $0xFFFF;
	s2 =	simm.s32 @!p0 $0x1C01  }
0x64: {  	[timem:s3], [sflag:s2] =	dma.local @!p0 [hbm:s0], s1  }
0x65: {  	s0 =	simm.s32 @!p0 $0x1  }
0x66: {  	_ =	swait.ge @!p0 [sflag:s0], s1  }
0x67: {  	s1 =	ssub.s32 @!p0 $0x0, s1;
	[sflag:s0] =	ssyncset.done @!p0 $0x0  }
0x68: {  	[sflag:s0] =	ssyncadd.s32 @!p0 s1  }
0x69: {  	[bflag:$0x3] =	sbarrier.arrive $0xFFFF  }
0x6a: {  	_ =	shalt  }

// kernel: kernel.13.cloned.1.call-start
scs
__scs_entry_jumppad:
0x0: {  	(pc) =	sbr.rel $0x88, $3  }
0x1: {  	(tag) =	ssettag $0x0;
	lr =	simm.s32 $0x1  }
0x2: {  	[smem:$0x3F97] =	sst lr;
	_ =	strace $0xD0000000  }
0x3: {  	_ = 	snop  }
0x4: {  	_ = 	snop  }
0x5: {  	_ = 	snop  }
0x6: {  	_ = 	snop  }
0x7: {  	_ = 	snop  }
__scs_overlays_trampoline_lowered:
0x8: {  	[smem:$0x3FA6] =	sst s0  }
0x9: {  	[smem:$0x3FA7] =	sst s1  }
0xa: {  	[smem:$0x3FA8] =	sst s2  }
0xb: {  	[smem:$0x3FA9] =	sst s3  }
0xc: {  	[smem:$0x3FAA] =	sst s4  }
0xd: {  	[smem:$0x3FAB] =	sst s5  }
0xe: {  	[smem:$0x3FAC] =	sst s6  }
0xf: {  	[smem:$0x3FAD] =	sst s7  }
0x10: {  	[smem:$0x3FAE] =	sst s8  }
0x11: {  	[smem:$0x3FAF] =	sst s9;
	s0 =	simm.s32 @!p0 $0x0  }
0x12: {  	s1 =	sld [smem:$0x3F95];
	s0 =	simm.s32 @p0 $0x1  }
0x13: {  	[smem:$0x3FB0] =	sst s0;
	s0 =	simm.s32 @!p1 $0x0  }
0x14: {  	s2 =	sld [smem:$0x3F94];
	s0 =	simm.s32 @p1 $0x1  }
0x15: {  	[smem:$0x3FB1] =	sst s0;
	s0 =	simm.s32 @!p2 $0x0  }
0x16: {  	s3 =	sld [smem:$0x3FDB];
	s0 =	simm.s32 @p2 $0x1  }
0x17: {  	s4 =	simm.s32 $0x1BF5;
	[smem:$0x3FB3] =	sst s0  }
0x18: {  	s0 =	sld [smem:$0x3F96];
	_ =	swait.ge [sflag:s4], $0x0  }
0x19: {  	s7 =	sld [smem:$0x3F97]  }
0x1a: {  	s8 =	sadd.s32 $0xFFFFE003, lr  }
0x1b: {  	s9 =	sadd.s32 $0xFFFFFEF7, lr;
	s5 =	simm.s32 $0xFFFFFFFF;
	p2 =	slt.u32 s8, $0xFFFFF086  }
0x1c: {  	p1 =	slt.u32 s9, $0xF7A;
	s5 =	simm.s32 @!p2 $0x0  }
0x1d: {  	s5 =	simm.s32 @p1 $0x1;
	p0 =	seq.s32 s7, s2  }
0x1e: {  	s7 =	smul.u32 @!p0 $0xF7A, s2;
	p2 =	seq.s32 @!p0 s5, $0x0  }
0x1f: {  	s9 =	smul.u32 $0xF7A, s1;
	s8 =	simm.s32 @!p0 $0x1BF5;
	p2 =	por !p2, p0  }
0x20: {  	[sflag:s8] =	ssyncset.s32 @!p0 $0xFFFFF086;
	s6 =	sadd.s32 @!p0 s3, s7;
	s7 =	simm.s32 @!p0 $0x108  }
0x21: {  	s3 =	sadd.s32 s3, s9;
	s6 =	sadd.s32 @!p0 $0x88, s6;
	s7 =	simm.s32 @p2 $0x1082  }
0x22: {  	[simem:s7], [sflag:s8] =	dma.local @!p0 [hbm:s6], $0xF7A  }
0x23: {  	s9 =	sor.u32 $0xD0000000, s2;
	s6 =	simm.s32 $0x108;
	_ =	swait.ge @!p0 [sflag:s8], $0x0  }
0x24: {  	s3 =	sadd.s32 $0x88, s3;
	s6 =	simm.s32 @!p1 $0x1082;
	[sflag:s4] =	ssyncset.s32 $0xFFFFF086  }
0x25: {  	[simem:s6], [sflag:s4] =	dma.local [hbm:s3], $0xF7A  }
0x26: {  	[smem:$0x3F97] =	sst s1;
	(tag) =	ssettag s2;
	_ =	strace s9  }
0x27: {  	s1 =	sld [smem:$0x3FA7]  }
0x28: {  	s2 =	sld [smem:$0x3FA8]  }
0x29: {  	s4 =	sld [smem:$0x3FAA]  }
0x2a: {  	p0 =	seq.s32 s5, $0x0;
	s5 =	sld [smem:$0x3FAB]  }
0x2b: {  	s6 =	sld [smem:$0x3FAC]  }
0x2c: {  	s7 =	sld [smem:$0x3FAD]  }
0x2d: {  	s3 =	simm.s32 $0x108;
	s8 =	sld [smem:$0x3FAE]  }
0x2e: {  	s3 =	simm.s32 @!p0 $0x1082;
	s9 =	sld [smem:$0x3FAF]  }
0x2f: {  	lr =	sadd.s32 s0, s3;
	s0 =	sld [smem:$0x3FA6]  }
0x30: {  	s3 =	sld [smem:$0x3FA9]  }
0x31: {  	[smem:$0x3FB2] =	sst s10  }
0x32: {  	s10 =	sld [smem:$0x3FB0];
	_ =	sdelay $0x3  }
0x33: {  	p0 =	seq.s32 s10, $0x1;
	s10 =	sld [smem:$0x3FB2];
	_ =	sdelay $0x3  }
0x34: {  	[smem:$0x3FB2] =	sst s10  }
0x35: {  	s10 =	sld [smem:$0x3FB1];
	_ =	sdelay $0x3  }
0x36: {  	p1 =	seq.s32 s10, $0x1;
	s10 =	sld [smem:$0x3FB2];
	_ =	sdelay $0x3  }
0x37: {  	[smem:$0x3FB2] =	sst s10  }
0x38: {  	s10 =	sld [smem:$0x3FB3]  }
0x39: {  	_ = 	snop;
	(pc) =	sbr.ind lr, $3  }
0x3a: {  	_ = 	snop  }
0x3b: {  	_ = 	snop  }
0x3c: {  	p2 =	seq.s32 s10, $0x1;
	s10 =	sld [smem:$0x3FB2]  }
0x3d: {  	_ =	shalt  }
0x3e: {  	_ =	shalt  }
0x3f: {  	_ =	shalt  }
0x40: {  	_ =	shalt  }
0x41: {  	_ =	shalt  }
0x42: {  	_ =	shalt  }
0x43: {  	_ =	shalt  }
0x44: {  	_ =	shalt  }
0x45: {  	_ =	shalt  }
0x46: {  	_ =	shalt  }
0x47: {  	_ =	shalt  }
0x48: {  	_ =	shalt  }
0x49: {  	_ =	shalt  }
0x4a: {  	_ =	shalt  }
0x4b: {  	_ =	shalt  }
0x4c: {  	_ =	shalt  }
0x4d: {  	_ =	shalt  }
0x4e: {  	_ =	shalt  }
0x4f: {  	_ =	shalt  }
0x50: {  	_ =	shalt  }
0x51: {  	_ =	shalt  }
0x52: {  	_ =	shalt  }
0x53: {  	_ =	shalt  }
0x54: {  	_ =	shalt  }
0x55: {  	_ =	shalt  }
0x56: {  	_ =	shalt  }
0x57: {  	_ =	shalt  }
0x58: {  	_ =	shalt  }
0x59: {  	_ =	shalt  }
0x5a: {  	_ =	shalt  }
0x5b: {  	_ =	shalt  }
0x5c: {  	_ =	shalt  }
0x5d: {  	_ =	shalt  }
0x5e: {  	_ =	shalt  }
0x5f: {  	_ =	shalt  }
0x60: {  	_ =	shalt  }
0x61: {  	_ =	shalt  }
0x62: {  	_ =	shalt  }
0x63: {  	_ =	shalt  }
0x64: {  	_ =	shalt  }
0x65: {  	_ =	shalt  }
0x66: {  	_ =	shalt  }
0x67: {  	_ =	shalt  }
0x68: {  	_ =	shalt  }
0x69: {  	_ =	shalt  }
0x6a: {  	_ =	shalt  }
0x6b: {  	_ =	shalt  }
0x6c: {  	_ =	shalt  }
0x6d: {  	_ =	shalt  }
0x6e: {  	_ =	shalt  }
0x6f: {  	_ =	shalt  }
0x70: {  	_ =	shalt  }
0x71: {  	_ =	shalt  }
0x72: {  	_ =	shalt  }
0x73: {  	_ =	shalt  }
0x74: {  	_ =	shalt  }
0x75: {  	_ =	shalt  }
0x76: {  	_ =	shalt  }
0x77: {  	_ =	shalt  }
0x78: {  	_ =	shalt  }
0x79: {  	_ =	shalt  }
0x7a: {  	_ =	shalt  }
0x7b: {  	_ =	shalt  }
0x7c: {  	_ =	shalt  }
0x7d: {  	_ =	shalt  }
0x7e: {  	_ =	shalt  }
0x7f: {  	_ =	shalt  }
0x80: {  	_ =	shalt  }
0x81: {  	_ =	shalt  }
0x82: {  	_ =	shalt  }
0x83: {  	_ =	shalt  }
0x84: {  	_ =	shalt  }
0x85: {  	_ =	shalt  }
0x86: {  	_ =	shalt  }
0x87: {  	_ =	shalt  }
.Lfunc_end0:
.L_simem_size_0:
called_computation.1_lowered:
.L_overlay_start_0:
0x88: {  	s2 =	sld [smem:$0x3FD9]  }
0x89: {  	s3 =	sld [smem:$0x3FFE];
	_ =	sdelay $0x1  }
0x8a: {  	s1 =	srdreg.scid  }
0x8b: {  	s0 =	sand.u32 $0x1, s1  }
0x8c: {  	s17 =	sshll.u32 s0, $0xA;
	s2 =	sadd.s32 s3, s2  }
0x8d: {  	s2 =	sadd.s32 s2, s17  }
0x8e: {  	[smem:$0x3FBE] =	sst s2  }
0x8f: {  	_ = 	snop  }
0x90: {  	s18 =	sld [smem:$0x3FD0];
	(tm) =	ssettm $0x1  }
0x91: {  	s19 =	sld [smem:$0x3FFB];
	_ =	sdelay $0x3  }
0x92: {  	_ =	strace s19  }
0x93: {  	s2 =	sld [smem:$0x3FFC];
	_ =	sdelay $0x3  }
0x94: {  	_ =	strace s2  }
0x95: {  	s2 =	sld [smem:$0x3FFD];
	_ =	sdelay $0x3  }
0x96: {  	_ =	strace s2  }
0x97: {  	_ =	strace $0x8FFFFFFF  }
0x98: {  	s20 =	sld [smem:$0x3FDB];
	_ =	sdelay $0x1  }
0x99: {  	s4 =	simm.s32 $_scs_section_size  }
0x9a: {  	s5 =	simm.s32 $_size__tile_overlayer_lowered;
	s6 =	simm.s32 $_tile_overlayer_lowered  }
0x9b: {  	s7 =	simm.s32 $0x1BFF;
	s21 =	sshll.u32 s6, $0x1;
	s4 =	sadd.s32 s4, s20  }
0x9c: {  	s22 =	simm.s32 $0x0;
	s5 =	sshll.u32 s5, $0x1;
	s6 =	sadd.s32 s21, s4  }
0x9d: {  	[timem:s22], [sflag:s7] =	dma.local [hbm:s6], s5  }
0x9e: {  	_ =	swait.ge [sflag:s7], s5  }
0x9f: {  	s5 =	ssub.s32 $0x0, s5;
	[sflag:s7] =	ssyncset.done $0x0  }
0xa0: {  	[sflag:s7] =	ssyncadd.s32 s5;
	_ =	sdelay $0x1  }
0xa1: {  	s23 =	simm.s32 $0x1B8B  }
0xa2: {  	_ =	swait.ge [sflag:s23], $0x1  }
0xa3: {  	[sflag:s23] =	ssyncset.done $0x0  }
0xa4: {  	[sflag:s23] =	ssyncadd.s32 $0xFFFFFFFF  }
0xa5: {  	s5 =	sld [smem:$0x0]  }
0xa6: {  	s6 =	sand.u32 $0xFFFFFFFE, s1  }
0xa7: {  	p0 =	sne.s32 s1, s6  }
0xa8: {  	s6 =	sshll.u32 @p0 s6, $0xE  }
0xa9: {  	s6 =	sadd.s32 @p0 $0x11B8D, s6;
	s7 =	sshll.u32 @p0 s5, $0x11  }
0xaa: {  	s6 =	sor.u32 @p0 s7, s6  }
0xab: {  	[sflag:s6] =	ssyncadd.remote.s32 @p0 $0x1;
	_ =	sdelay $0x1  }
0xac: {  	s6 =	simm.s32 @p0 $0x1B8D  }
0xad: {  	_ =	swait.eq @p0 [sflag:s6], $0x1  }
0xae: {  	[sflag:s6] =	ssyncadd.s32 @p0 $0xFFFFFFFF  }
0xaf: {  	s7 =	sshll.u32 @!p0 s1, $0xE  }
0xb0: {  	s7 =	sor.u32 @!p0 $0x4000, s7;
	s6 =	simm.s32 @!p0 $0x1B8D  }
0xb1: {  	s5 =	sshll.u32 @!p0 s5, $0x11;
	s7 =	sadd.s32 @!p0 $0x11B8D, s7;
	_ =	swait.eq @!p0 [sflag:s6], $0x1  }
0xb2: {  	s5 =	sor.u32 @!p0 s5, s7;
	[sflag:s6] =	ssyncadd.s32 @!p0 $0xFFFFFFFF  }
0xb3: {  	s25 =	simm.s32 $0x1B8E;
	s24 =	sld [smem:$0x3FFE];
	[sflag:s5] =	ssyncadd.remote.s32 @!p0 $0x1  }
0xb4: {  	s26 =	simm.s32 $execute0_lowered;
	[smem:$0x3FD2] =	sst s25  }
0xb5: {  	s6 =	sshll.u32 s26, $0x1;
	_ =	strace $0x80000049;
	[dreg:$0x1] =	wrdreg $0xFFFFFFFF  }
0xb6: {  	s28 =	simm.s32 $_size_execute0_lowered;
	s4 =	sadd.s32 s4, s6;
	[dreg:$0x0] =	wrdreg $0x0  }
0xb7: {  	s6 =	sshll.u32 s28, $0x1;
	[dreg:$0x2] =	wrdreg s4  }
0xb8: {  	[dreg:$0x3] =	wrdreg s6  }
0xb9: {  	[dreg:$0x4] =	wrdreg $0xC0  }
0xba: {  	_ =	task [dreg:s22], $0x5FFFF  }
0xbb: {  	[dreg:$0x1] =	wrdreg $0xFFFFFFFF  }
0xbc: {  	[dreg:$0x0] =	wrdreg $0x60  }
0xbd: {  	[dreg:$0x2] =	wrdreg s18  }
0xbe: {  	[dreg:$0x3] =	wrdreg s24  }
0xbf: {  	[dreg:$0x4] =	wrdreg $0x41000  }
0xc0: {  	[dreg:$0x5] =	wrdreg $0xA  }
0xc1: {  	_ =	task.clear_ibuf [dreg:s22], $0x6FFFF;
	_ =	strace $0x90000049  }
0xc2: {  	s29 =	simm.s32 $0xA;
	_ =	strace $0x8000004B  }
0xc3: {  	_ =	swait.ge [sflag:s29], $0x1  }
0xc4: {  	[sflag:s29] =	ssyncadd.s32 $0xFFFFFFFF  }
0xc5: {  	_ =	strace $0x9000004B  }
0xc6: {  	_ =	sfence  }
0xc7: {  	s30 =	sld [smem:$0x0];
	_ =	sdelay $0x2  }
0xc8: {  	s31 =	sshll.u32 s1, $0xD;
	s1 =	sshrl.u32 s1, $0x2  }
0xc9: {  	s4 =	sand.u32 $0x4000, s31;
	s1 =	sadd.s32 s1, s30  }
0xca: {  	s0 =	sor.u32 s4, s0;
	s1 =	sshll.u32 s1, $0x11  }
0xcb: {  	s0 =	sor.u32 s1, s0  }
0xcc: {  	s0 =	sadd.s32 $0x8F2B, s0  }
0xcd: {  	[sflag:s0] =	ssyncadd.remote.s32 $0x1  }
0xce: {  	_ =	sfence.sel $0xFFFF  }
0xcf: {  	[dreg:$0x0] =	wrdreg $0xFFFFFFFF;
	(pc) =	sbr.abs _section_cstart, $3  }
0xd0: {  	[dreg:$0x1] =	wrdreg $0xFFFFFFFF  }
0xd1: {  	_ =	task.clear_ibuf [dreg:s22], $0x2FFFF;
	_ =	strace $0x9FFFFFFF  }
0xd2: {  	(tm) =	ssettm $0x7FFFFFFF  }
0xd3: {  	_ =	shalt  }
tec
execute0_lowered:
.L_overlay_start_1:
0x0: {  	(tag) =	ssettag $0x1  }
0x1: {  	s2 =	rddreg [dreg:$0x0];
	s1 =	stileid.u32  }
0x2: {  	s5 =	rddreg [dreg:$0x1];
	s7 =	smul.u32 $0x62, s1  }
0x3: {  	s3 =	rddreg [dreg:$0x2];
	s8 =	smul.u32 $0x3E, s1  }
0x4: {  	s0 =	rddreg [dreg:$0x3];
	s18 =	smul.u32 $0x2800, s1  }
0x5: {  	s6 =	srdreg.scid;
	s4 =	simm.s32 $0x0;
	s15 =	smul.u32 $0x280, s1  }
0x6: {  	s6 =	sand.u32 $0x1, s6;
	[smem:$0x7FF] =	sst s4;
	s9 =	smul.u32 $0x50000, s1  }
0x7: {  	s23 =	sshll.u32 s1, $0x6;
	p0 =	seq.s32 s6, $0x0;
	_ =	strace $0x8000004A  }
0x8: {  	s21 =	ssub.s32 $0x2, s6;
	s16 =	smul.u32 $0x2800, s6;
	s7 =	sadd.s32 $0x3E0, s7  }
0x9: {  	s19 =	sadd.s32 s18, s5;
	s18 =	sadd.s32 $0x90800, s5;
	s10 =	sshrl.u32 s21, $0x1  }
0xa: {  	s22 =	sshrl.u32 s9, $0x2;
	s25 =	sadd.s32 $0x80, s15;
	s14 =	sadd.s32 $0x100, s15  }
0xb: {  	s29 =	sadd.s32 $0x180, s15;
	s7 =	smov.u32 @p0 s8;
	s10 =	ssub.s32 s21, s10  }
0xc: {  	s6 =	sadd.s32 s22, s3;
	s24 =	sadd.s32 s16, s15;
	s8 =	sor.u32 $0x1C02, s23  }
0xd: {  	s12 =	sshll.u32 s25, $0x7;
	s13 =	sadd.s32 s16, s25;
	s28 =	sadd.s32 s16, s14  }
0xe: {  	s14 =	sshll.u32 s14, $0x7;
	s21 =	sadd.s32 $0x200, s15;
	s22 =	simm.s32 $0x80  }
0xf: {  	s23 =	simm.s32 $0x100;
	s25 =	simm.s32 $0x0;
	s7 =	sshll.u32 s7, $0x4  }
0x10: {  	s11 =	sshll.u32 s24, $0x4;
	s9 =	smax.u32 s10, $0x1;
	s26 =	sshll.u32 s13, $0x4  }
0x11: {  	s17 =	sshll.u32 s28, $0x4;
	s13 =	sadd.s32 s14, s3;
	s30 =	sadd.s32 s16, s21  }
0x12: {  	s31 =	sshll.u32 s21, $0x7;
	s21 =	simm.s32 $0x2;
	s24 =	simm.s32 $0x1  }
0x13: {  	s20 =	sadd.s32 s7, s5;
	s5 =	simm.s32 $0x3E;
	s7 =	sadd.s32 $0x18000, s19  }
0x14: {  	s10 =	sadd.s32 s18, s11;
	s11 =	sadd.s32 s12, s3;
	s12 =	sadd.s32 s18, s26  }
0x15: {  	s14 =	sadd.s32 s18, s17;
	s19 =	sshll.u32 s29, $0x7;
	s17 =	sadd.s32 s16, s29  }
0x16: {  	s5 =	simm.s32 @!p0 $0x62;
	s15 =	sadd.s32 s19, s3;
	s17 =	sshll.u32 s17, $0x4  }
0x17: {  	s19 =	sshll.u32 s30, $0x4;
	s16 =	sadd.s32 s18, s17;
	s17 =	sadd.s32 s31, s3  }
0x18: {  	s18 =	sadd.s32 s18, s19;
	s19 =	sadd.s32 $0x4000, s20;
	s20 =	sadd.s32 $0xE000, s20  }
.LBB2_1:
0x19: {  	s26 =	sshrl.u32 s6, $0x3  }
0x1a: {  	[spmem:s26], [sflag:s8] =	dma.local [hbm:s7], $0x2800  }
0x1b: {  	_ =	swait.ge [sflag:s21], $0x2800  }
0x1c: {  	[sflag:s21] =	ssyncset.done $0x0  }
0x1d: {  	[sflag:s21] =	ssyncadd.s32 $0xFFFFD800  }
0x1e: {  	[bflag:$0x0] =	sbarrier.arrive $0xFFFF  }
0x1f: {  	[tilespmem:s4], [sflag:$0x2] =	stream.linear.gather [hbm4b:s20+s4], $0x80, $0x38;
	[tilespmem:$0x18100] =	vst v63  }
0x20: {  	_ =	swait.ge [sflag:s21], $0x80  }
0x21: {  	[sflag:s21] =	ssyncset.done $0x0  }
0x22: {  	[sflag:s21] =	ssyncadd.s32 $0xFFFFFF80  }
0x23: {  	[tilespmem:s22], [sflag:$0x2] =	stream.linear.gather [hbm4b:s19+s4], $0x80, $0x38;
	[tilespmem:$0x18100] =	vst v63  }
0x24: {  	_ =	swait.ge [sflag:s21], $0x80  }
0x25: {  	[sflag:s21] =	ssyncset.done $0x0  }
0x26: {  	[sflag:s21] =	ssyncadd.s32 $0xFFFFFF80  }
0x27: {  	[tilespmem:s23], [sflag:$0x1] =	stream.indirect.gather [hbm4b:s2+s22], $0x80, s4, s22, $0xb8;
	[tilespmem:$0x18100] =	vst v63  }
0x28: {  	p0 =	sne.s32 s5, $0x1;
	_ =	swait.ge [sflag:s24], $0x4000  }
.Ltmp0:
0x29: {  	[sflag:s24] =	ssyncset.done $0x0;
	(pc) =	sbr.rel @!p0 .LBB2_3-.Ltmp0, $4  }
0x2a: {  	[sflag:s24] =	ssyncadd.s32 $0xFFFFC000  }
0x2b: {  	[spmem:s3] =	stream.indirect.scatter.add.f32 [tilespmem:s23], [sflag:$0x2], $0x80, s22, s22, $0xb8;
	[tilespmem:$0x18100] =	vst v63  }
0x2c: {  	s28 =	smov.u32 s19;
	_ =	swait.ge [sflag:s21], $0x4000  }
0x2d: {  	s29 =	smov.u32 s20;
	s26 =	sadd.s32 $0xFFFFFFFF, s5;
	[sflag:s21] =	ssyncset.done $0x0  }
.LBB2_2:
0x2e: {  	[sflag:s21] =	ssyncadd.s32 $0xFFFFC000;
	s28 =	sadd.s32 $0x10, s28;
	s29 =	sadd.s32 $0x10, s29  }
0x2f: {  	[tilespmem:s4], [sflag:$0x2] =	stream.linear.gather [hbm4b:s29+s4], $0x80, $0x38;
	[tilespmem:$0x18100] =	vst v63  }
0x30: {  	p0 =	sne.s32 s26, $0x1;
	s26 =	sadd.s32 $0xFFFFFFFF, s26;
	_ =	swait.ge [sflag:s21], $0x80  }
0x31: {  	[sflag:s21] =	ssyncset.done $0x0  }
0x32: {  	[sflag:s21] =	ssyncadd.s32 $0xFFFFFF80  }
0x33: {  	[tilespmem:s22], [sflag:$0x2] =	stream.linear.gather [hbm4b:s28+s4], $0x80, $0x38;
	[tilespmem:$0x18100] =	vst v63  }
0x34: {  	_ =	swait.ge [sflag:s21], $0x80  }
0x35: {  	[sflag:s21] =	ssyncset.done $0x0  }
0x36: {  	[sflag:s21] =	ssyncadd.s32 $0xFFFFFF80  }
0x37: {  	[tilespmem:s23], [sflag:$0x1] =	stream.indirect.gather [hbm4b:s2+s22], $0x80, s4, s22, $0xb8;
	[tilespmem:$0x18100] =	vst v63  }
0x38: {  	_ =	swait.ge [sflag:s24], $0x4000  }
.Ltmp1:
0x39: {  	[sflag:s24] =	ssyncset.done $0x0;
	(pc) =	sbr.rel @p0 .LBB2_2-.Ltmp1, $4  }
0x3a: {  	[sflag:s24] =	ssyncadd.s32 $0xFFFFC000  }
0x3b: {  	[spmem:s3] =	stream.indirect.scatter.add.f32 [tilespmem:s23], [sflag:$0x2], $0x80, s22, s22, $0xb8;
	[tilespmem:$0x18100] =	vst v63  }
0x3c: {  	_ =	swait.ge [sflag:s21], $0x4000  }
0x3d: {  	[sflag:s21] =	ssyncset.done $0x0  }
.LBB2_3:
0x3e: {  	[sflag:s21] =	ssyncadd.s32 $0xFFFFC000  }
0x3f: {  	[bflag:$0x0] =	sbarrier.arrive $0xFFFF  }
0x40: {  	[tilespmem:s23], [sflag:$0x2] =	stream.linear.gather [spmem:s6], $0x4000, $0x38;
	[tilespmem:$0x18100] =	vst v63  }
0x41: {  	_ =	swait.ge [sflag:s21], $0x4000  }
0x42: {  	[sflag:s21] =	ssyncset.done $0x0  }
0x43: {  	[sflag:s21] =	ssyncadd.s32 $0xFFFFC000  }
0x44: {  	[hbm4b:s10+s4] =	stream.linear.scatter [tilespmem:s23], [sflag:$0x2], $0x4000, $0x38;
	[tilespmem:$0x18100] =	vst v63  }
0x45: {  	_ =	swait.ge [sflag:s21], $0x4000  }
0x46: {  	[sflag:s21] =	ssyncset.done $0x0  }
0x47: {  	[sflag:s21] =	ssyncadd.s32 $0xFFFFC000  }
0x48: {  	[tilespmem:s23], [sflag:$0x2] =	stream.linear.gather [spmem:s11], $0x4000, $0x38;
	[tilespmem:$0x18100] =	vst v63  }
0x49: {  	_ =	swait.ge [sflag:s21], $0x4000  }
0x4a: {  	[sflag:s21] =	ssyncset.done $0x0  }
0x4b: {  	[sflag:s21] =	ssyncadd.s32 $0xFFFFC000  }
0x4c: {  	[hbm4b:s12+s4] =	stream.linear.scatter [tilespmem:s23], [sflag:$0x2], $0x4000, $0x38;
	[tilespmem:$0x18100] =	vst v63  }
0x4d: {  	_ =	swait.ge [sflag:s21], $0x4000  }
0x4e: {  	[sflag:s21] =	ssyncset.done $0x0  }
0x4f: {  	[sflag:s21] =	ssyncadd.s32 $0xFFFFC000  }
0x50: {  	[tilespmem:s23], [sflag:$0x2] =	stream.linear.gather [spmem:s13], $0x4000, $0x38;
	[tilespmem:$0x18100] =	vst v63  }
0x51: {  	_ =	swait.ge [sflag:s21], $0x4000  }
0x52: {  	[sflag:s21] =	ssyncset.done $0x0  }
0x53: {  	[sflag:s21] =	ssyncadd.s32 $0xFFFFC000  }
0x54: {  	[hbm4b:s14+s4] =	stream.linear.scatter [tilespmem:s23], [sflag:$0x2], $0x4000, $0x38;
	[tilespmem:$0x18100] =	vst v63  }
0x55: {  	_ =	swait.ge [sflag:s21], $0x4000  }
0x56: {  	[sflag:s21] =	ssyncset.done $0x0  }
0x57: {  	[sflag:s21] =	ssyncadd.s32 $0xFFFFC000  }
0x58: {  	[tilespmem:s23], [sflag:$0x2] =	stream.linear.gather [spmem:s15], $0x4000, $0x38;
	[tilespmem:$0x18100] =	vst v63  }
0x59: {  	_ =	swait.ge [sflag:s21], $0x4000  }
0x5a: {  	[sflag:s21] =	ssyncset.done $0x0  }
0x5b: {  	[sflag:s21] =	ssyncadd.s32 $0xFFFFC000  }
0x5c: {  	[hbm4b:s16+s4] =	stream.linear.scatter [tilespmem:s23], [sflag:$0x2], $0x4000, $0x38;
	[tilespmem:$0x18100] =	vst v63  }
0x5d: {  	_ =	swait.ge [sflag:s21], $0x4000  }
0x5e: {  	[sflag:s21] =	ssyncset.done $0x0  }
0x5f: {  	[sflag:s21] =	ssyncadd.s32 $0xFFFFC000  }
0x60: {  	[tilespmem:s23], [sflag:$0x2] =	stream.linear.gather [spmem:s17], $0x4000, $0x38;
	[tilespmem:$0x18100] =	vst v63  }
0x61: {  	s25 =	sadd.s32 $0x1, s25;
	_ =	swait.ge [sflag:s21], $0x4000  }
0x62: {  	p0 =	sne.s32 s25, s9;
	[sflag:s21] =	ssyncset.done $0x0  }
.Ltmp2:
0x63: {  	[sflag:s21] =	ssyncadd.s32 $0xFFFFC000;
	(pc) =	sbr.rel @p0 .LBB2_1-.Ltmp2, $4  }
0x64: {  	[hbm4b:s18+s4] =	stream.linear.scatter [tilespmem:s23], [sflag:$0x2], $0x4000, $0x38;
	[tilespmem:$0x18100] =	vst v63  }
0x65: {  	_ =	swait.ge [sflag:s21], $0x4000  }
0x66: {  	[sflag:s21] =	ssyncset.done $0x0  }
0x67: {  	[sflag:s21] =	ssyncadd.s32 $0xFFFFC000  }
0x68: {  	_ =	sfence.sel $0x180000  }
0x69: {  	[bflag:$0x0] =	sbarrier.arrive $0xFFFF  }
0x6a: {  	p0 =	sne.s32 s1, $0x0;
	_ =	strace $0x9000004A  }
0x6b: {  	s0 =	sadd.s32 @!p0 $0x100000, s0;
	[bflag:$0x2] =	sbarrier.arrive $0xFFFF  }
0x6c: {  	[sflag:s0] =	ssyncadd.tile.s32 @!p0 $0x1;
	_ =	shalt  }
.Lfunc_end2:
_tile_overlayer_lowered:
.L_overlay_start_2:
0x6d: {  	(tag) =	ssettag $0x2  }
0x6e: {  	s0 =	rddreg [dreg:$0x0];
	s2 =	stileid.u32  }
0x6f: {  	s1 =	rddreg [dreg:$0x1];
	p0 =	sne.s32 s2, $0x0  }
0x70: {  	s3 =	rddreg [dreg:$0x2];
	[bflag:$0x3] =	sbarrier.arrive $0xFFFF;
	s2 =	simm.s32 @!p0 $0x1C02  }
0x71: {  	[timem:s3], [sflag:s2] =	dma.local @!p0 [hbm:s0], s1  }
0x72: {  	s0 =	simm.s32 @!p0 $0x2  }
0x73: {  	_ =	swait.ge @!p0 [sflag:s0], s1  }
0x74: {  	s1 =	ssub.s32 @!p0 $0x0, s1;
	[sflag:s0] =	ssyncset.done @!p0 $0x0  }
0x75: {  	[sflag:s0] =	ssyncadd.s32 @!p0 s1  }
0x76: {  	[bflag:$0x3] =	sbarrier.arrive $0xFFFF  }
0x77: {  	_ =	shalt  }

// kernel: kernel.16.cloned.1.call-start
scs
__scs_entry_jumppad:
0x0: {  	(pc) =	sbr.rel $0x88, $3  }
0x1: {  	(tag) =	ssettag $0x0;
	lr =	simm.s32 $0x1  }
0x2: {  	[smem:$0x3F97] =	sst lr;
	_ =	strace $0xD0000000  }
0x3: {  	_ = 	snop  }
0x4: {  	_ = 	snop  }
0x5: {  	_ = 	snop  }
0x6: {  	_ = 	snop  }
0x7: {  	_ = 	snop  }
__scs_overlays_trampoline_lowered:
0x8: {  	[smem:$0x3FA6] =	sst s0  }
0x9: {  	[smem:$0x3FA7] =	sst s1  }
0xa: {  	[smem:$0x3FA8] =	sst s2  }
0xb: {  	[smem:$0x3FA9] =	sst s3  }
0xc: {  	[smem:$0x3FAA] =	sst s4  }
0xd: {  	[smem:$0x3FAB] =	sst s5  }
0xe: {  	[smem:$0x3FAC] =	sst s6  }
0xf: {  	[smem:$0x3FAD] =	sst s7  }
0x10: {  	[smem:$0x3FAE] =	sst s8  }
0x11: {  	[smem:$0x3FAF] =	sst s9;
	s0 =	simm.s32 @!p0 $0x0  }
0x12: {  	s1 =	sld [smem:$0x3F95];
	s0 =	simm.s32 @p0 $0x1  }
0x13: {  	[smem:$0x3FB0] =	sst s0;
	s0 =	simm.s32 @!p1 $0x0  }
0x14: {  	s2 =	sld [smem:$0x3F94];
	s0 =	simm.s32 @p1 $0x1  }
0x15: {  	[smem:$0x3FB1] =	sst s0;
	s0 =	simm.s32 @!p2 $0x0  }
0x16: {  	s3 =	sld [smem:$0x3FDB];
	s0 =	simm.s32 @p2 $0x1  }
0x17: {  	s4 =	simm.s32 $0x1BF5;
	[smem:$0x3FB3] =	sst s0  }
0x18: {  	s0 =	sld [smem:$0x3F96];
	_ =	swait.ge [sflag:s4], $0x0  }
0x19: {  	s7 =	sld [smem:$0x3F97]  }
0x1a: {  	s8 =	sadd.s32 $0xFFFFE003, lr  }
0x1b: {  	s9 =	sadd.s32 $0xFFFFFEF7, lr;
	s5 =	simm.s32 $0xFFFFFFFF;
	p2 =	slt.u32 s8, $0xFFFFF086  }
0x1c: {  	p1 =	slt.u32 s9, $0xF7A;
	s5 =	simm.s32 @!p2 $0x0  }
0x1d: {  	s5 =	simm.s32 @p1 $0x1;
	p0 =	seq.s32 s7, s2  }
0x1e: {  	s7 =	smul.u32 @!p0 $0xF7A, s2;
	p2 =	seq.s32 @!p0 s5, $0x0  }
0x1f: {  	s9 =	smul.u32 $0xF7A, s1;
	s8 =	simm.s32 @!p0 $0x1BF5;
	p2 =	por !p2, p0  }
0x20: {  	[sflag:s8] =	ssyncset.s32 @!p0 $0xFFFFF086;
	s6 =	sadd.s32 @!p0 s3, s7;
	s7 =	simm.s32 @!p0 $0x108  }
0x21: {  	s3 =	sadd.s32 s3, s9;
	s6 =	sadd.s32 @!p0 $0x88, s6;
	s7 =	simm.s32 @p2 $0x1082  }
0x22: {  	[simem:s7], [sflag:s8] =	dma.local @!p0 [hbm:s6], $0xF7A  }
0x23: {  	s9 =	sor.u32 $0xD0000000, s2;
	s6 =	simm.s32 $0x108;
	_ =	swait.ge @!p0 [sflag:s8], $0x0  }
0x24: {  	s3 =	sadd.s32 $0x88, s3;
	s6 =	simm.s32 @!p1 $0x1082;
	[sflag:s4] =	ssyncset.s32 $0xFFFFF086  }
0x25: {  	[simem:s6], [sflag:s4] =	dma.local [hbm:s3], $0xF7A  }
0x26: {  	[smem:$0x3F97] =	sst s1;
	(tag) =	ssettag s2;
	_ =	strace s9  }
0x27: {  	s1 =	sld [smem:$0x3FA7]  }
0x28: {  	s2 =	sld [smem:$0x3FA8]  }
0x29: {  	s4 =	sld [smem:$0x3FAA]  }
0x2a: {  	p0 =	seq.s32 s5, $0x0;
	s5 =	sld [smem:$0x3FAB]  }
0x2b: {  	s6 =	sld [smem:$0x3FAC]  }
0x2c: {  	s7 =	sld [smem:$0x3FAD]  }
0x2d: {  	s3 =	simm.s32 $0x108;
	s8 =	sld [smem:$0x3FAE]  }
0x2e: {  	s3 =	simm.s32 @!p0 $0x1082;
	s9 =	sld [smem:$0x3FAF]  }
0x2f: {  	lr =	sadd.s32 s0, s3;
	s0 =	sld [smem:$0x3FA6]  }
0x30: {  	s3 =	sld [smem:$0x3FA9]  }
0x31: {  	[smem:$0x3FB2] =	sst s10  }
0x32: {  	s10 =	sld [smem:$0x3FB0];
	_ =	sdelay $0x3  }
0x33: {  	p0 =	seq.s32 s10, $0x1;
	s10 =	sld [smem:$0x3FB2];
	_ =	sdelay $0x3  }
0x34: {  	[smem:$0x3FB2] =	sst s10  }
0x35: {  	s10 =	sld [smem:$0x3FB1];
	_ =	sdelay $0x3  }
0x36: {  	p1 =	seq.s32 s10, $0x1;
	s10 =	sld [smem:$0x3FB2];
	_ =	sdelay $0x3  }
0x37: {  	[smem:$0x3FB2] =	sst s10  }
0x38: {  	s10 =	sld [smem:$0x3FB3]  }
0x39: {  	_ = 	snop;
	(pc) =	sbr.ind lr, $3  }
0x3a: {  	_ = 	snop  }
0x3b: {  	_ = 	snop  }
0x3c: {  	p2 =	seq.s32 s10, $0x1;
	s10 =	sld [smem:$0x3FB2]  }
0x3d: {  	_ =	shalt  }
0x3e: {  	_ =	shalt  }
0x3f: {  	_ =	shalt  }
0x40: {  	_ =	shalt  }
0x41: {  	_ =	shalt  }
0x42: {  	_ =	shalt  }
0x43: {  	_ =	shalt  }
0x44: {  	_ =	shalt  }
0x45: {  	_ =	shalt  }
0x46: {  	_ =	shalt  }
0x47: {  	_ =	shalt  }
0x48: {  	_ =	shalt  }
0x49: {  	_ =	shalt  }
0x4a: {  	_ =	shalt  }
0x4b: {  	_ =	shalt  }
0x4c: {  	_ =	shalt  }
0x4d: {  	_ =	shalt  }
0x4e: {  	_ =	shalt  }
0x4f: {  	_ =	shalt  }
0x50: {  	_ =	shalt  }
0x51: {  	_ =	shalt  }
0x52: {  	_ =	shalt  }
0x53: {  	_ =	shalt  }
0x54: {  	_ =	shalt  }
0x55: {  	_ =	shalt  }
0x56: {  	_ =	shalt  }
0x57: {  	_ =	shalt  }
0x58: {  	_ =	shalt  }
0x59: {  	_ =	shalt  }
0x5a: {  	_ =	shalt  }
0x5b: {  	_ =	shalt  }
0x5c: {  	_ =	shalt  }
0x5d: {  	_ =	shalt  }
0x5e: {  	_ =	shalt  }
0x5f: {  	_ =	shalt  }
0x60: {  	_ =	shalt  }
0x61: {  	_ =	shalt  }
0x62: {  	_ =	shalt  }
0x63: {  	_ =	shalt  }
0x64: {  	_ =	shalt  }
0x65: {  	_ =	shalt  }
0x66: {  	_ =	shalt  }
0x67: {  	_ =	shalt  }
0x68: {  	_ =	shalt  }
0x69: {  	_ =	shalt  }
0x6a: {  	_ =	shalt  }
0x6b: {  	_ =	shalt  }
0x6c: {  	_ =	shalt  }
0x6d: {  	_ =	shalt  }
0x6e: {  	_ =	shalt  }
0x6f: {  	_ =	shalt  }
0x70: {  	_ =	shalt  }
0x71: {  	_ =	shalt  }
0x72: {  	_ =	shalt  }
0x73: {  	_ =	shalt  }
0x74: {  	_ =	shalt  }
0x75: {  	_ =	shalt  }
0x76: {  	_ =	shalt  }
0x77: {  	_ =	shalt  }
0x78: {  	_ =	shalt  }
0x79: {  	_ =	shalt  }
0x7a: {  	_ =	shalt  }
0x7b: {  	_ =	shalt  }
0x7c: {  	_ =	shalt  }
0x7d: {  	_ =	shalt  }
0x7e: {  	_ =	shalt  }
0x7f: {  	_ =	shalt  }
0x80: {  	_ =	shalt  }
0x81: {  	_ =	shalt  }
0x82: {  	_ =	shalt  }
0x83: {  	_ =	shalt  }
0x84: {  	_ =	shalt  }
0x85: {  	_ =	shalt  }
0x86: {  	_ =	shalt  }
0x87: {  	_ =	shalt  }
.Lfunc_end0:
.L_simem_size_0:
called_computation.2_lowered:
.L_overlay_start_0:
0x88: {  	s2 =	sld [smem:$0x3FD9]  }
0x89: {  	s3 =	sld [smem:$0x3FFE];
	_ =	sdelay $0x1  }
0x8a: {  	s1 =	srdreg.scid  }
0x8b: {  	s0 =	sand.u32 $0x1, s1  }
0x8c: {  	s17 =	sshll.u32 s0, $0xA;
	s2 =	sadd.s32 s3, s2  }
0x8d: {  	s2 =	sadd.s32 s2, s17  }
0x8e: {  	[smem:$0x3FBE] =	sst s2  }
0x8f: {  	_ = 	snop  }
0x90: {  	s2 =	sld [smem:$0x3FD0];
	(tm) =	ssettm $0x1  }
0x91: {  	s18 =	sld [smem:$0x3FFB];
	_ =	sdelay $0x3  }
0x92: {  	_ =	strace s18  }
0x93: {  	s3 =	sld [smem:$0x3FFC];
	_ =	sdelay $0x3  }
0x94: {  	_ =	strace s3  }
0x95: {  	s3 =	sld [smem:$0x3FFD];
	_ =	sdelay $0x3  }
0x96: {  	_ =	strace s3  }
0x97: {  	_ =	strace $0x8FFFFFFF  }
0x98: {  	s19 =	sld [smem:$0x3FDB];
	_ =	sdelay $0x1  }
0x99: {  	s4 =	simm.s32 $_scs_section_size  }
0x9a: {  	s5 =	simm.s32 $_size__tile_overlayer_lowered;
	s6 =	simm.s32 $_tile_overlayer_lowered  }
0x9b: {  	s22 =	simm.s32 $0x1BFF;
	s21 =	sshll.u32 s6, $0x1;
	s3 =	sadd.s32 s4, s19  }
0x9c: {  	s7 =	simm.s32 $0x0;
	s20 =	sshll.u32 s5, $0x1;
	s5 =	sadd.s32 s21, s3  }
0x9d: {  	[timem:s7], [sflag:s22] =	dma.local [hbm:s5], s20  }
0x9e: {  	_ =	swait.ge [sflag:s22], s20  }
0x9f: {  	s4 =	ssub.s32 $0x0, s20;
	[sflag:s22] =	ssyncset.done $0x0  }
0xa0: {  	[sflag:s22] =	ssyncadd.s32 s4;
	_ =	sdelay $0x1  }
0xa1: {  	s23 =	simm.s32 $0x1B8B  }
0xa2: {  	_ =	swait.ge [sflag:s23], $0x1  }
0xa3: {  	[sflag:s23] =	ssyncset.done $0x0  }
0xa4: {  	s25 =	simm.s32 $0x1B8E;
	s24 =	sld [smem:$0x3FFE];
	[sflag:s23] =	ssyncadd.s32 $0xFFFFFFFF  }
0xa5: {  	s26 =	simm.s32 $execute0_lowered;
	[smem:$0x3FD2] =	sst s25  }
0xa6: {  	s5 =	sshll.u32 s26, $0x1;
	_ =	strace $0x8000004C;
	[dreg:$0x1] =	wrdreg $0xFFFFFFFF  }
0xa7: {  	s28 =	simm.s32 $_size_execute0_lowered;
	s3 =	sadd.s32 s3, s5;
	[dreg:$0x0] =	wrdreg $0x0  }
0xa8: {  	s5 =	sshll.u32 s28, $0x1;
	[dreg:$0x2] =	wrdreg s3  }
0xa9: {  	[dreg:$0x3] =	wrdreg s5  }
0xaa: {  	[dreg:$0x4] =	wrdreg $0xC0  }
0xab: {  	_ =	task [dreg:s7], $0x5FFFF  }
0xac: {  	[dreg:$0x1] =	wrdreg $0xFFFFFFFF  }
0xad: {  	[dreg:$0x0] =	wrdreg $0x60  }
0xae: {  	[dreg:$0x2] =	wrdreg s2  }
0xaf: {  	[dreg:$0x3] =	wrdreg s24  }
0xb0: {  	[dreg:$0x4] =	wrdreg $0x41000  }
0xb1: {  	[dreg:$0x5] =	wrdreg $0x9  }
0xb2: {  	_ =	task.clear_ibuf [dreg:s7], $0x6FFFF;
	_ =	strace $0x9000004C  }
0xb3: {  	s29 =	simm.s32 $0x9;
	_ =	strace $0x8000004E  }
0xb4: {  	_ =	swait.ge [sflag:s29], $0x1  }
0xb5: {  	[sflag:s29] =	ssyncadd.s32 $0xFFFFFFFF  }
0xb6: {  	_ =	strace $0x9000004E  }
0xb7: {  	_ =	sfence  }
0xb8: {  	s30 =	sld [smem:$0x0];
	_ =	sdelay $0x2  }
0xb9: {  	s31 =	sshll.u32 s1, $0xD;
	s1 =	sshrl.u32 s1, $0x2  }
0xba: {  	s3 =	sand.u32 $0x4000, s31;
	s1 =	sadd.s32 s1, s30  }
0xbb: {  	s0 =	sor.u32 s3, s0;
	s1 =	sshll.u32 s1, $0x11  }
0xbc: {  	s0 =	sor.u32 s1, s0  }
0xbd: {  	s0 =	sadd.s32 $0x8F2B, s0  }
0xbe: {  	[sflag:s0] =	ssyncadd.remote.s32 $0x1  }
0xbf: {  	_ =	sfence.sel $0xFFFF  }
0xc0: {  	[dreg:$0x0] =	wrdreg $0xFFFFFFFF;
	(pc) =	sbr.abs _section_cstart, $3  }
0xc1: {  	[dreg:$0x1] =	wrdreg $0xFFFFFFFF  }
0xc2: {  	_ =	task.clear_ibuf [dreg:s7], $0x2FFFF;
	_ =	strace $0x9FFFFFFF  }
0xc3: {  	(tm) =	ssettm $0x7FFFFFFF  }
tec
execute0_lowered:
.L_overlay_start_1:
0x0: {  	(tag) =	ssettag $0x1  }
0x1: {  	s2 =	rddreg [dreg:$0x0];
	s1 =	stileid.u32  }
0x2: {  	s5 =	rddreg [dreg:$0x1];
	s7 =	smul.u32 $0x62, s1  }
0x3: {  	s3 =	rddreg [dreg:$0x2];
	s8 =	smul.u32 $0x3E, s1  }
0x4: {  	s0 =	rddreg [dreg:$0x3];
	s18 =	smul.u32 $0x2800, s1  }
0x5: {  	s6 =	srdreg.scid;
	s4 =	simm.s32 $0x0;
	s15 =	smul.u32 $0x280, s1  }
0x6: {  	s6 =	sand.u32 $0x1, s6;
	[smem:$0x7FF] =	sst s4;
	s9 =	smul.u32 $0x50000, s1  }
0x7: {  	s23 =	sshll.u32 s1, $0x6;
	p0 =	seq.s32 s6, $0x0;
	_ =	strace $0x8000004D  }
0x8: {  	s21 =	ssub.s32 $0x2, s6;
	s16 =	smul.u32 $0x2800, s6;
	s7 =	sadd.s32 $0x3E0, s7  }
0x9: {  	s19 =	sadd.s32 s18, s5;
	s18 =	sadd.s32 $0x40000, s5;
	s10 =	sshrl.u32 s21, $0x1  }
0xa: {  	s22 =	sshrl.u32 s9, $0x2;
	s25 =	sadd.s32 $0x80, s15;
	s14 =	sadd.s32 $0x100, s15  }
0xb: {  	s29 =	sadd.s32 $0x180, s15;
	s7 =	smov.u32 @p0 s8;
	s10 =	ssub.s32 s21, s10  }
0xc: {  	s6 =	sadd.s32 s22, s3;
	s24 =	sadd.s32 s16, s15;
	s8 =	sor.u32 $0x1C02, s23  }
0xd: {  	s12 =	sshll.u32 s25, $0x7;
	s13 =	sadd.s32 s16, s25;
	s28 =	sadd.s32 s16, s14  }
0xe: {  	s14 =	sshll.u32 s14, $0x7;
	s21 =	sadd.s32 $0x200, s15;
	s22 =	simm.s32 $0x80  }
0xf: {  	s23 =	simm.s32 $0x100;
	s25 =	simm.s32 $0x0;
	s7 =	sshll.u32 s7, $0x4  }
0x10: {  	s11 =	sshll.u32 s24, $0x4;
	s9 =	smax.u32 s10, $0x1;
	s26 =	sshll.u32 s13, $0x4  }
0x11: {  	s17 =	sshll.u32 s28, $0x4;
	s13 =	sadd.s32 s14, s3;
	s30 =	sadd.s32 s16, s21  }
0x12: {  	s31 =	sshll.u32 s21, $0x7;
	s21 =	simm.s32 $0x2;
	s24 =	simm.s32 $0x1  }
0x13: {  	s20 =	sadd.s32 s7, s5;
	s5 =	simm.s32 $0x3E;
	s7 =	sadd.s32 $0x18000, s19  }
0x14: {  	s10 =	sadd.s32 s18, s11;
	s11 =	sadd.s32 s12, s3;
	s12 =	sadd.s32 s18, s26  }
0x15: {  	s14 =	sadd.s32 s18, s17;
	s19 =	sshll.u32 s29, $0x7;
	s17 =	sadd.s32 s16, s29  }
0x16: {  	s5 =	simm.s32 @!p0 $0x62;
	s15 =	sadd.s32 s19, s3;
	s17 =	sshll.u32 s17, $0x4  }
0x17: {  	s19 =	sshll.u32 s30, $0x4;
	s16 =	sadd.s32 s18, s17;
	s17 =	sadd.s32 s31, s3  }
0x18: {  	s18 =	sadd.s32 s18, s19;
	s19 =	sadd.s32 $0x4000, s20;
	s20 =	sadd.s32 $0xE000, s20  }
.LBB2_1:
0x19: {  	s26 =	sshrl.u32 s6, $0x3  }
0x1a: {  	[spmem:s26], [sflag:s8] =	dma.local [hbm:s7], $0x2800  }
0x1b: {  	_ =	swait.ge [sflag:s21], $0x2800  }
0x1c: {  	[sflag:s21] =	ssyncset.done $0x0  }
0x1d: {  	[sflag:s21] =	ssyncadd.s32 $0xFFFFD800  }
0x1e: {  	[bflag:$0x0] =	sbarrier.arrive $0xFFFF  }
0x1f: {  	[tilespmem:s4], [sflag:$0x2] =	stream.linear.gather [hbm4b:s20+s4], $0x80, $0x38;
	[tilespmem:$0x18100] =	vst v63  }
0x20: {  	_ =	swait.ge [sflag:s21], $0x80  }
0x21: {  	[sflag:s21] =	ssyncset.done $0x0  }
0x22: {  	[sflag:s21] =	ssyncadd.s32 $0xFFFFFF80  }
0x23: {  	[tilespmem:s22], [sflag:$0x2] =	stream.linear.gather [hbm4b:s19+s4], $0x80, $0x38;
	[tilespmem:$0x18100] =	vst v63  }
0x24: {  	_ =	swait.ge [sflag:s21], $0x80  }
0x25: {  	[sflag:s21] =	ssyncset.done $0x0  }
0x26: {  	[sflag:s21] =	ssyncadd.s32 $0xFFFFFF80  }
0x27: {  	[tilespmem:s23], [sflag:$0x1] =	stream.indirect.gather [hbm4b:s2+s22], $0x80, s4, s22, $0xb8;
	[tilespmem:$0x18100] =	vst v63  }
0x28: {  	p0 =	sne.s32 s5, $0x1;
	_ =	swait.ge [sflag:s24], $0x4000  }
.Ltmp0:
0x29: {  	[sflag:s24] =	ssyncset.done $0x0;
	(pc) =	sbr.rel @!p0 .LBB2_3-.Ltmp0, $4  }
0x2a: {  	[sflag:s24] =	ssyncadd.s32 $0xFFFFC000  }
0x2b: {  	[spmem:s3] =	stream.indirect.scatter.add.f32 [tilespmem:s23], [sflag:$0x2], $0x80, s22, s22, $0xb8;
	[tilespmem:$0x18100] =	vst v63  }
0x2c: {  	s28 =	smov.u32 s19;
	_ =	swait.ge [sflag:s21], $0x4000  }
0x2d: {  	s29 =	smov.u32 s20;
	s26 =	sadd.s32 $0xFFFFFFFF, s5;
	[sflag:s21] =	ssyncset.done $0x0  }
.LBB2_2:
0x2e: {  	[sflag:s21] =	ssyncadd.s32 $0xFFFFC000;
	s28 =	sadd.s32 $0x10, s28;
	s29 =	sadd.s32 $0x10, s29  }
0x2f: {  	[tilespmem:s4], [sflag:$0x2] =	stream.linear.gather [hbm4b:s29+s4], $0x80, $0x38;
	[tilespmem:$0x18100] =	vst v63  }
0x30: {  	p0 =	sne.s32 s26, $0x1;
	s26 =	sadd.s32 $0xFFFFFFFF, s26;
	_ =	swait.ge [sflag:s21], $0x80  }
0x31: {  	[sflag:s21] =	ssyncset.done $0x0  }
0x32: {  	[sflag:s21] =	ssyncadd.s32 $0xFFFFFF80  }
0x33: {  	[tilespmem:s22], [sflag:$0x2] =	stream.linear.gather [hbm4b:s28+s4], $0x80, $0x38;
	[tilespmem:$0x18100] =	vst v63  }
0x34: {  	_ =	swait.ge [sflag:s21], $0x80  }
0x35: {  	[sflag:s21] =	ssyncset.done $0x0  }
0x36: {  	[sflag:s21] =	ssyncadd.s32 $0xFFFFFF80  }
0x37: {  	[tilespmem:s23], [sflag:$0x1] =	stream.indirect.gather [hbm4b:s2+s22], $0x80, s4, s22, $0xb8;
	[tilespmem:$0x18100] =	vst v63  }
0x38: {  	_ =	swait.ge [sflag:s24], $0x4000  }
.Ltmp1:
0x39: {  	[sflag:s24] =	ssyncset.done $0x0;
	(pc) =	sbr.rel @p0 .LBB2_2-.Ltmp1, $4  }
0x3a: {  	[sflag:s24] =	ssyncadd.s32 $0xFFFFC000  }
0x3b: {  	[spmem:s3] =	stream.indirect.scatter.add.f32 [tilespmem:s23], [sflag:$0x2], $0x80, s22, s22, $0xb8;
	[tilespmem:$0x18100] =	vst v63  }
0x3c: {  	_ =	swait.ge [sflag:s21], $0x4000  }
0x3d: {  	[sflag:s21] =	ssyncset.done $0x0  }
.LBB2_3:
0x3e: {  	[sflag:s21] =	ssyncadd.s32 $0xFFFFC000  }
0x3f: {  	[bflag:$0x0] =	sbarrier.arrive $0xFFFF  }
0x40: {  	[tilespmem:s23], [sflag:$0x2] =	stream.linear.gather [spmem:s6], $0x4000, $0x38;
	[tilespmem:$0x18100] =	vst v63  }
0x41: {  	_ =	swait.ge [sflag:s21], $0x4000  }
0x42: {  	[sflag:s21] =	ssyncset.done $0x0  }
0x43: {  	[sflag:s21] =	ssyncadd.s32 $0xFFFFC000  }
0x44: {  	[hbm4b:s10+s4] =	stream.linear.scatter [tilespmem:s23], [sflag:$0x2], $0x4000, $0x38;
	[tilespmem:$0x18100] =	vst v63  }
0x45: {  	_ =	swait.ge [sflag:s21], $0x4000  }
0x46: {  	[sflag:s21] =	ssyncset.done $0x0  }
0x47: {  	[sflag:s21] =	ssyncadd.s32 $0xFFFFC000  }
0x48: {  	[tilespmem:s23], [sflag:$0x2] =	stream.linear.gather [spmem:s11], $0x4000, $0x38;
	[tilespmem:$0x18100] =	vst v63  }
0x49: {  	_ =	swait.ge [sflag:s21], $0x4000  }
0x4a: {  	[sflag:s21] =	ssyncset.done $0x0  }
0x4b: {  	[sflag:s21] =	ssyncadd.s32 $0xFFFFC000  }
0x4c: {  	[hbm4b:s12+s4] =	stream.linear.scatter [tilespmem:s23], [sflag:$0x2], $0x4000, $0x38;
	[tilespmem:$0x18100] =	vst v63  }
0x4d: {  	_ =	swait.ge [sflag:s21], $0x4000  }
0x4e: {  	[sflag:s21] =	ssyncset.done $0x0  }
0x4f: {  	[sflag:s21] =	ssyncadd.s32 $0xFFFFC000  }
0x50: {  	[tilespmem:s23], [sflag:$0x2] =	stream.linear.gather [spmem:s13], $0x4000, $0x38;
	[tilespmem:$0x18100] =	vst v63  }
0x51: {  	_ =	swait.ge [sflag:s21], $0x4000  }
0x52: {  	[sflag:s21] =	ssyncset.done $0x0  }
0x53: {  	[sflag:s21] =	ssyncadd.s32 $0xFFFFC000  }
0x54: {  	[hbm4b:s14+s4] =	stream.linear.scatter [tilespmem:s23], [sflag:$0x2], $0x4000, $0x38;
	[tilespmem:$0x18100] =	vst v63  }
0x55: {  	_ =	swait.ge [sflag:s21], $0x4000  }
0x56: {  	[sflag:s21] =	ssyncset.done $0x0  }
0x57: {  	[sflag:s21] =	ssyncadd.s32 $0xFFFFC000  }
0x58: {  	[tilespmem:s23], [sflag:$0x2] =	stream.linear.gather [spmem:s15], $0x4000, $0x38;
	[tilespmem:$0x18100] =	vst v63  }
0x59: {  	_ =	swait.ge [sflag:s21], $0x4000  }
0x5a: {  	[sflag:s21] =	ssyncset.done $0x0  }
0x5b: {  	[sflag:s21] =	ssyncadd.s32 $0xFFFFC000  }
0x5c: {  	[hbm4b:s16+s4] =	stream.linear.scatter [tilespmem:s23], [sflag:$0x2], $0x4000, $0x38;
	[tilespmem:$0x18100] =	vst v63  }
0x5d: {  	_ =	swait.ge [sflag:s21], $0x4000  }
0x5e: {  	[sflag:s21] =	ssyncset.done $0x0  }
0x5f: {  	[sflag:s21] =	ssyncadd.s32 $0xFFFFC000  }
0x60: {  	[tilespmem:s23], [sflag:$0x2] =	stream.linear.gather [spmem:s17], $0x4000, $0x38;
	[tilespmem:$0x18100] =	vst v63  }
0x61: {  	s25 =	sadd.s32 $0x1, s25;
	_ =	swait.ge [sflag:s21], $0x4000  }
0x62: {  	p0 =	sne.s32 s25, s9;
	[sflag:s21] =	ssyncset.done $0x0  }
.Ltmp2:
0x63: {  	[sflag:s21] =	ssyncadd.s32 $0xFFFFC000;
	(pc) =	sbr.rel @p0 .LBB2_1-.Ltmp2, $4  }
0x64: {  	[hbm4b:s18+s4] =	stream.linear.scatter [tilespmem:s23], [sflag:$0x2], $0x4000, $0x38;
	[tilespmem:$0x18100] =	vst v63  }
0x65: {  	_ =	swait.ge [sflag:s21], $0x4000  }
0x66: {  	[sflag:s21] =	ssyncset.done $0x0  }
0x67: {  	[sflag:s21] =	ssyncadd.s32 $0xFFFFC000  }
0x68: {  	_ =	sfence.sel $0x180000  }
0x69: {  	[bflag:$0x0] =	sbarrier.arrive $0xFFFF  }
0x6a: {  	p0 =	sne.s32 s1, $0x0;
	_ =	strace $0x9000004D  }
0x6b: {  	s0 =	sadd.s32 @!p0 $0x100000, s0;
	[bflag:$0x2] =	sbarrier.arrive $0xFFFF  }
0x6c: {  	[sflag:s0] =	ssyncadd.tile.s32 @!p0 $0x1;
	_ =	shalt  }
.Lfunc_end2:
_tile_overlayer_lowered:
.L_overlay_start_2:
0x6d: {  	(tag) =	ssettag $0x2  }
0x6e: {  	s0 =	rddreg [dreg:$0x0];
	s2 =	stileid.u32  }
0x6f: {  	s1 =	rddreg [dreg:$0x1];
	p0 =	sne.s32 s2, $0x0  }
0x70: {  	s3 =	rddreg [dreg:$0x2];
	[bflag:$0x3] =	sbarrier.arrive $0xFFFF;
	s2 =	simm.s32 @!p0 $0x1C02  }
0x71: {  	[timem:s3], [sflag:s2] =	dma.local @!p0 [hbm:s0], s1  }
0x72: {  	s0 =	simm.s32 @!p0 $0x2  }
0x73: {  	_ =	swait.ge @!p0 [sflag:s0], s1  }
0x74: {  	s1 =	ssub.s32 @!p0 $0x0, s1;
	[sflag:s0] =	ssyncset.done @!p0 $0x0  }
0x75: {  	[sflag:s0] =	ssyncadd.s32 @!p0 s1  }
0x76: {  	[bflag:$0x3] =	sbarrier.arrive $0xFFFF  }
0x77: {  	_ =	shalt  }

// kernel: kernel.19.cloned.1.call-start
scs
__scs_entry_jumppad:
0x0: {  	(pc) =	sbr.rel $0x88, $3  }
0x1: {  	(tag) =	ssettag $0x0;
	lr =	simm.s32 $0x1  }
0x2: {  	[smem:$0x3F97] =	sst lr;
	_ =	strace $0xD0000000  }
0x3: {  	_ = 	snop  }
0x4: {  	_ = 	snop  }
0x5: {  	_ = 	snop  }
0x6: {  	_ = 	snop  }
0x7: {  	_ = 	snop  }
__scs_overlays_trampoline_lowered:
0x8: {  	[smem:$0x3FA6] =	sst s0  }
0x9: {  	[smem:$0x3FA7] =	sst s1  }
0xa: {  	[smem:$0x3FA8] =	sst s2  }
0xb: {  	[smem:$0x3FA9] =	sst s3  }
0xc: {  	[smem:$0x3FAA] =	sst s4  }
0xd: {  	[smem:$0x3FAB] =	sst s5  }
0xe: {  	[smem:$0x3FAC] =	sst s6  }
0xf: {  	[smem:$0x3FAD] =	sst s7  }
0x10: {  	[smem:$0x3FAE] =	sst s8  }
0x11: {  	[smem:$0x3FAF] =	sst s9;
	s0 =	simm.s32 @!p0 $0x0  }
0x12: {  	s1 =	sld [smem:$0x3F95];
	s0 =	simm.s32 @p0 $0x1  }
0x13: {  	[smem:$0x3FB0] =	sst s0;
	s0 =	simm.s32 @!p1 $0x0  }
0x14: {  	s2 =	sld [smem:$0x3F94];
	s0 =	simm.s32 @p1 $0x1  }
0x15: {  	[smem:$0x3FB1] =	sst s0;
	s0 =	simm.s32 @!p2 $0x0  }
0x16: {  	s3 =	sld [smem:$0x3FDB];
	s0 =	simm.s32 @p2 $0x1  }
0x17: {  	s4 =	simm.s32 $0x1BF5;
	[smem:$0x3FB3] =	sst s0  }
0x18: {  	s0 =	sld [smem:$0x3F96];
	_ =	swait.ge [sflag:s4], $0x0  }
0x19: {  	s7 =	sld [smem:$0x3F97]  }
0x1a: {  	s8 =	sadd.s32 $0xFFFFE003, lr  }
0x1b: {  	s9 =	sadd.s32 $0xFFFFFEF7, lr;
	s5 =	simm.s32 $0xFFFFFFFF;
	p2 =	slt.u32 s8, $0xFFFFF086  }
0x1c: {  	p1 =	slt.u32 s9, $0xF7A;
	s5 =	simm.s32 @!p2 $0x0  }
0x1d: {  	s5 =	simm.s32 @p1 $0x1;
	p0 =	seq.s32 s7, s2  }
0x1e: {  	s7 =	smul.u32 @!p0 $0xF7A, s2;
	p2 =	seq.s32 @!p0 s5, $0x0  }
0x1f: {  	s9 =	smul.u32 $0xF7A, s1;
	s8 =	simm.s32 @!p0 $0x1BF5;
	p2 =	por !p2, p0  }
0x20: {  	[sflag:s8] =	ssyncset.s32 @!p0 $0xFFFFF086;
	s6 =	sadd.s32 @!p0 s3, s7;
	s7 =	simm.s32 @!p0 $0x108  }
0x21: {  	s3 =	sadd.s32 s3, s9;
	s6 =	sadd.s32 @!p0 $0x88, s6;
	s7 =	simm.s32 @p2 $0x1082  }
0x22: {  	[simem:s7], [sflag:s8] =	dma.local @!p0 [hbm:s6], $0xF7A  }
0x23: {  	s9 =	sor.u32 $0xD0000000, s2;
	s6 =	simm.s32 $0x108;
	_ =	swait.ge @!p0 [sflag:s8], $0x0  }
0x24: {  	s3 =	sadd.s32 $0x88, s3;
	s6 =	simm.s32 @!p1 $0x1082;
	[sflag:s4] =	ssyncset.s32 $0xFFFFF086  }
0x25: {  	[simem:s6], [sflag:s4] =	dma.local [hbm:s3], $0xF7A  }
0x26: {  	[smem:$0x3F97] =	sst s1;
	(tag) =	ssettag s2;
	_ =	strace s9  }
0x27: {  	s1 =	sld [smem:$0x3FA7]  }
0x28: {  	s2 =	sld [smem:$0x3FA8]  }
0x29: {  	s4 =	sld [smem:$0x3FAA]  }
0x2a: {  	p0 =	seq.s32 s5, $0x0;
	s5 =	sld [smem:$0x3FAB]  }
0x2b: {  	s6 =	sld [smem:$0x3FAC]  }
0x2c: {  	s7 =	sld [smem:$0x3FAD]  }
0x2d: {  	s3 =	simm.s32 $0x108;
	s8 =	sld [smem:$0x3FAE]  }
0x2e: {  	s3 =	simm.s32 @!p0 $0x1082;
	s9 =	sld [smem:$0x3FAF]  }
0x2f: {  	lr =	sadd.s32 s0, s3;
	s0 =	sld [smem:$0x3FA6]  }
0x30: {  	s3 =	sld [smem:$0x3FA9]  }
0x31: {  	[smem:$0x3FB2] =	sst s10  }
0x32: {  	s10 =	sld [smem:$0x3FB0];
	_ =	sdelay $0x3  }
0x33: {  	p0 =	seq.s32 s10, $0x1;
	s10 =	sld [smem:$0x3FB2];
	_ =	sdelay $0x3  }
0x34: {  	[smem:$0x3FB2] =	sst s10  }
0x35: {  	s10 =	sld [smem:$0x3FB1];
	_ =	sdelay $0x3  }
0x36: {  	p1 =	seq.s32 s10, $0x1;
	s10 =	sld [smem:$0x3FB2];
	_ =	sdelay $0x3  }
0x37: {  	[smem:$0x3FB2] =	sst s10  }
0x38: {  	s10 =	sld [smem:$0x3FB3]  }
0x39: {  	_ = 	snop;
	(pc) =	sbr.ind lr, $3  }
0x3a: {  	_ = 	snop  }
0x3b: {  	_ = 	snop  }
0x3c: {  	p2 =	seq.s32 s10, $0x1;
	s10 =	sld [smem:$0x3FB2]  }
0x3d: {  	_ =	shalt  }
0x3e: {  	_ =	shalt  }
0x3f: {  	_ =	shalt  }
0x40: {  	_ =	shalt  }
0x41: {  	_ =	shalt  }
0x42: {  	_ =	shalt  }
0x43: {  	_ =	shalt  }
0x44: {  	_ =	shalt  }
0x45: {  	_ =	shalt  }
0x46: {  	_ =	shalt  }
0x47: {  	_ =	shalt  }
0x48: {  	_ =	shalt  }
0x49: {  	_ =	shalt  }
0x4a: {  	_ =	shalt  }
0x4b: {  	_ =	shalt  }
0x4c: {  	_ =	shalt  }
0x4d: {  	_ =	shalt  }
0x4e: {  	_ =	shalt  }
0x4f: {  	_ =	shalt  }
0x50: {  	_ =	shalt  }
0x51: {  	_ =	shalt  }
0x52: {  	_ =	shalt  }
0x53: {  	_ =	shalt  }
0x54: {  	_ =	shalt  }
0x55: {  	_ =	shalt  }
0x56: {  	_ =	shalt  }
0x57: {  	_ =	shalt  }
0x58: {  	_ =	shalt  }
0x59: {  	_ =	shalt  }
0x5a: {  	_ =	shalt  }
0x5b: {  	_ =	shalt  }
0x5c: {  	_ =	shalt  }
0x5d: {  	_ =	shalt  }
0x5e: {  	_ =	shalt  }
0x5f: {  	_ =	shalt  }
0x60: {  	_ =	shalt  }
0x61: {  	_ =	shalt  }
0x62: {  	_ =	shalt  }
0x63: {  	_ =	shalt  }
0x64: {  	_ =	shalt  }
0x65: {  	_ =	shalt  }
0x66: {  	_ =	shalt  }
0x67: {  	_ =	shalt  }
0x68: {  	_ =	shalt  }
0x69: {  	_ =	shalt  }
0x6a: {  	_ =	shalt  }
0x6b: {  	_ =	shalt  }
0x6c: {  	_ =	shalt  }
0x6d: {  	_ =	shalt  }
0x6e: {  	_ =	shalt  }
0x6f: {  	_ =	shalt  }
0x70: {  	_ =	shalt  }
0x71: {  	_ =	shalt  }
0x72: {  	_ =	shalt  }
0x73: {  	_ =	shalt  }
0x74: {  	_ =	shalt  }
0x75: {  	_ =	shalt  }
0x76: {  	_ =	shalt  }
0x77: {  	_ =	shalt  }
0x78: {  	_ =	shalt  }
0x79: {  	_ =	shalt  }
0x7a: {  	_ =	shalt  }
0x7b: {  	_ =	shalt  }
0x7c: {  	_ =	shalt  }
0x7d: {  	_ =	shalt  }
0x7e: {  	_ =	shalt  }
0x7f: {  	_ =	shalt  }
0x80: {  	_ =	shalt  }
0x81: {  	_ =	shalt  }
0x82: {  	_ =	shalt  }
0x83: {  	_ =	shalt  }
0x84: {  	_ =	shalt  }
0x85: {  	_ =	shalt  }
0x86: {  	_ =	shalt  }
0x87: {  	_ =	shalt  }
.Lfunc_end0:
.L_simem_size_0:
called_computation.3_lowered:
.L_overlay_start_0:
0x88: {  	s2 =	sld [smem:$0x3FD9]  }
0x89: {  	s3 =	sld [smem:$0x3FFE];
	_ =	sdelay $0x1  }
0x8a: {  	s1 =	srdreg.scid  }
0x8b: {  	s0 =	sand.u32 $0x1, s1  }
0x8c: {  	s17 =	sshll.u32 s0, $0xA;
	s2 =	sadd.s32 s3, s2  }
0x8d: {  	s2 =	sadd.s32 s2, s17  }
0x8e: {  	[smem:$0x3FBE] =	sst s2  }
0x8f: {  	_ = 	snop  }
0x90: {  	s2 =	sld [smem:$0x3FD0];
	(tm) =	ssettm $0x1  }
0x91: {  	s18 =	sld [smem:$0x3FFB];
	_ =	sdelay $0x3  }
0x92: {  	_ =	strace s18  }
0x93: {  	s3 =	sld [smem:$0x3FFC];
	_ =	sdelay $0x3  }
0x94: {  	_ =	strace s3  }
0x95: {  	s3 =	sld [smem:$0x3FFD];
	_ =	sdelay $0x3  }
0x96: {  	_ =	strace s3  }
0x97: {  	_ =	strace $0x8FFFFFFF  }
0x98: {  	s19 =	sld [smem:$0x3FDB];
	_ =	sdelay $0x1  }
0x99: {  	s4 =	simm.s32 $_scs_section_size  }
0x9a: {  	s5 =	simm.s32 $_size__tile_overlayer_lowered;
	s6 =	simm.s32 $_tile_overlayer_lowered  }
0x9b: {  	s22 =	simm.s32 $0x1BFF;
	s21 =	sshll.u32 s6, $0x1;
	s3 =	sadd.s32 s4, s19  }
0x9c: {  	s7 =	simm.s32 $0x0;
	s20 =	sshll.u32 s5, $0x1;
	s5 =	sadd.s32 s21, s3  }
0x9d: {  	[timem:s7], [sflag:s22] =	dma.local [hbm:s5], s20  }
0x9e: {  	_ =	swait.ge [sflag:s22], s20  }
0x9f: {  	s4 =	ssub.s32 $0x0, s20;
	[sflag:s22] =	ssyncset.done $0x0  }
0xa0: {  	[sflag:s22] =	ssyncadd.s32 s4;
	_ =	sdelay $0x1  }
0xa1: {  	s23 =	simm.s32 $0x1B8B  }
0xa2: {  	_ =	swait.ge [sflag:s23], $0x1  }
0xa3: {  	[sflag:s23] =	ssyncset.done $0x0  }
0xa4: {  	s25 =	simm.s32 $0x1B8E;
	s24 =	sld [smem:$0x3FFE];
	[sflag:s23] =	ssyncadd.s32 $0xFFFFFFFF  }
0xa5: {  	s26 =	simm.s32 $execute0_lowered;
	[smem:$0x3FD2] =	sst s25  }
0xa6: {  	s5 =	sshll.u32 s26, $0x1;
	_ =	strace $0x8000004F;
	[dreg:$0x1] =	wrdreg $0xFFFFFFFF  }
0xa7: {  	s28 =	simm.s32 $_size_execute0_lowered;
	s3 =	sadd.s32 s3, s5;
	[dreg:$0x0] =	wrdreg $0x0  }
0xa8: {  	s5 =	sshll.u32 s28, $0x1;
	[dreg:$0x2] =	wrdreg s3  }
0xa9: {  	[dreg:$0x3] =	wrdreg s5  }
0xaa: {  	[dreg:$0x4] =	wrdreg $0xC0  }
0xab: {  	_ =	task [dreg:s7], $0x5FFFF  }
0xac: {  	[dreg:$0x1] =	wrdreg $0xFFFFFFFF  }
0xad: {  	[dreg:$0x0] =	wrdreg $0x60  }
0xae: {  	[dreg:$0x2] =	wrdreg s2  }
0xaf: {  	[dreg:$0x3] =	wrdreg s24  }
0xb0: {  	[dreg:$0x4] =	wrdreg $0x41000  }
0xb1: {  	[dreg:$0x5] =	wrdreg $0x9  }
0xb2: {  	_ =	task.clear_ibuf [dreg:s7], $0x6FFFF;
	_ =	strace $0x9000004F  }
0xb3: {  	s29 =	simm.s32 $0x9;
	_ =	strace $0x80000051  }
0xb4: {  	_ =	swait.ge [sflag:s29], $0x1  }
0xb5: {  	[sflag:s29] =	ssyncadd.s32 $0xFFFFFFFF  }
0xb6: {  	_ =	strace $0x90000051  }
0xb7: {  	_ =	sfence  }
0xb8: {  	s30 =	sld [smem:$0x0];
	_ =	sdelay $0x2  }
0xb9: {  	s31 =	sshll.u32 s1, $0xD;
	s1 =	sshrl.u32 s1, $0x2  }
0xba: {  	s3 =	sand.u32 $0x4000, s31;
	s1 =	sadd.s32 s1, s30  }
0xbb: {  	s0 =	sor.u32 s3, s0;
	s1 =	sshll.u32 s1, $0x11  }
0xbc: {  	s0 =	sor.u32 s1, s0  }
0xbd: {  	s0 =	sadd.s32 $0x8F2B, s0  }
0xbe: {  	[sflag:s0] =	ssyncadd.remote.s32 $0x1  }
0xbf: {  	_ =	sfence.sel $0xFFFF  }
0xc0: {  	[dreg:$0x0] =	wrdreg $0xFFFFFFFF;
	(pc) =	sbr.abs _section_cstart, $3  }
0xc1: {  	[dreg:$0x1] =	wrdreg $0xFFFFFFFF  }
0xc2: {  	_ =	task.clear_ibuf [dreg:s7], $0x2FFFF;
	_ =	strace $0x9FFFFFFF  }
0xc3: {  	(tm) =	ssettm $0x7FFFFFFF  }
tec
execute0_lowered:
.L_overlay_start_1:
0x0: {  	(tag) =	ssettag $0x1  }
0x1: {  	s2 =	rddreg [dreg:$0x0];
	s1 =	stileid.u32  }
0x2: {  	s5 =	rddreg [dreg:$0x1];
	s7 =	smul.u32 $0x62, s1  }
0x3: {  	s3 =	rddreg [dreg:$0x2];
	s8 =	smul.u32 $0x3E, s1  }
0x4: {  	s0 =	rddreg [dreg:$0x3];
	s18 =	smul.u32 $0x2800, s1  }
0x5: {  	s6 =	srdreg.scid;
	s4 =	simm.s32 $0x0;
	s15 =	smul.u32 $0x280, s1  }
0x6: {  	s6 =	sand.u32 $0x1, s6;
	[smem:$0x7FF] =	sst s4;
	s9 =	smul.u32 $0x50000, s1  }
0x7: {  	s23 =	sshll.u32 s1, $0x6;
	p0 =	seq.s32 s6, $0x0;
	_ =	strace $0x80000050  }
0x8: {  	s21 =	ssub.s32 $0x2, s6;
	s16 =	smul.u32 $0x2800, s6;
	s7 =	sadd.s32 $0x3E0, s7  }
0x9: {  	s19 =	sadd.s32 s18, s5;
	s18 =	sadd.s32 $0x40000, s5;
	s10 =	sshrl.u32 s21, $0x1  }
0xa: {  	s22 =	sshrl.u32 s9, $0x2;
	s25 =	sadd.s32 $0x80, s15;
	s14 =	sadd.s32 $0x100, s15  }
0xb: {  	s29 =	sadd.s32 $0x180, s15;
	s7 =	smov.u32 @p0 s8;
	s10 =	ssub.s32 s21, s10  }
0xc: {  	s6 =	sadd.s32 s22, s3;
	s24 =	sadd.s32 s16, s15;
	s8 =	sor.u32 $0x1C02, s23  }
0xd: {  	s12 =	sshll.u32 s25, $0x7;
	s13 =	sadd.s32 s16, s25;
	s28 =	sadd.s32 s16, s14  }
0xe: {  	s14 =	sshll.u32 s14, $0x7;
	s21 =	sadd.s32 $0x200, s15;
	s22 =	simm.s32 $0x80  }
0xf: {  	s23 =	simm.s32 $0x100;
	s25 =	simm.s32 $0x0;
	s7 =	sshll.u32 s7, $0x4  }
0x10: {  	s11 =	sshll.u32 s24, $0x4;
	s9 =	smax.u32 s10, $0x1;
	s26 =	sshll.u32 s13, $0x4  }
0x11: {  	s17 =	sshll.u32 s28, $0x4;
	s13 =	sadd.s32 s14, s3;
	s30 =	sadd.s32 s16, s21  }
0x12: {  	s31 =	sshll.u32 s21, $0x7;
	s21 =	simm.s32 $0x2;
	s24 =	simm.s32 $0x1  }
0x13: {  	s20 =	sadd.s32 s7, s5;
	s5 =	simm.s32 $0x3E;
	s7 =	sadd.s32 $0x18000, s19  }
0x14: {  	s10 =	sadd.s32 s18, s11;
	s11 =	sadd.s32 s12, s3;
	s12 =	sadd.s32 s18, s26  }
0x15: {  	s14 =	sadd.s32 s18, s17;
	s19 =	sshll.u32 s29, $0x7;
	s17 =	sadd.s32 s16, s29  }
0x16: {  	s5 =	simm.s32 @!p0 $0x62;
	s15 =	sadd.s32 s19, s3;
	s17 =	sshll.u32 s17, $0x4  }
0x17: {  	s19 =	sshll.u32 s30, $0x4;
	s16 =	sadd.s32 s18, s17;
	s17 =	sadd.s32 s31, s3  }
0x18: {  	s18 =	sadd.s32 s18, s19;
	s19 =	sadd.s32 $0x4000, s20;
	s20 =	sadd.s32 $0xE000, s20  }
.LBB2_1:
0x19: {  	s26 =	sshrl.u32 s6, $0x3  }
0x1a: {  	[spmem:s26], [sflag:s8] =	dma.local [hbm:s7], $0x2800  }
0x1b: {  	_ =	swait.ge [sflag:s21], $0x2800  }
0x1c: {  	[sflag:s21] =	ssyncset.done $0x0  }
0x1d: {  	[sflag:s21] =	ssyncadd.s32 $0xFFFFD800  }
0x1e: {  	[bflag:$0x0] =	sbarrier.arrive $0xFFFF  }
0x1f: {  	[tilespmem:s4], [sflag:$0x2] =	stream.linear.gather [hbm4b:s20+s4], $0x80, $0x38;
	[tilespmem:$0x18100] =	vst v63  }
0x20: {  	_ =	swait.ge [sflag:s21], $0x80  }
0x21: {  	[sflag:s21] =	ssyncset.done $0x0  }
0x22: {  	[sflag:s21] =	ssyncadd.s32 $0xFFFFFF80  }
0x23: {  	[tilespmem:s22], [sflag:$0x2] =	stream.linear.gather [hbm4b:s19+s4], $0x80, $0x38;
	[tilespmem:$0x18100] =	vst v63  }
0x24: {  	_ =	swait.ge [sflag:s21], $0x80  }
0x25: {  	[sflag:s21] =	ssyncset.done $0x0  }
0x26: {  	[sflag:s21] =	ssyncadd.s32 $0xFFFFFF80  }
0x27: {  	[tilespmem:s23], [sflag:$0x1] =	stream.indirect.gather [hbm4b:s2+s22], $0x80, s4, s22, $0xb8;
	[tilespmem:$0x18100] =	vst v63  }
0x28: {  	p0 =	sne.s32 s5, $0x1;
	_ =	swait.ge [sflag:s24], $0x4000  }
.Ltmp0:
0x29: {  	[sflag:s24] =	ssyncset.done $0x0;
	(pc) =	sbr.rel @!p0 .LBB2_3-.Ltmp0, $4  }
0x2a: {  	[sflag:s24] =	ssyncadd.s32 $0xFFFFC000  }
0x2b: {  	[spmem:s3] =	stream.indirect.scatter.add.f32 [tilespmem:s23], [sflag:$0x2], $0x80, s22, s22, $0xb8;
	[tilespmem:$0x18100] =	vst v63  }
0x2c: {  	s28 =	smov.u32 s19;
	_ =	swait.ge [sflag:s21], $0x4000  }
0x2d: {  	s29 =	smov.u32 s20;
	s26 =	sadd.s32 $0xFFFFFFFF, s5;
	[sflag:s21] =	ssyncset.done $0x0  }
.LBB2_2:
0x2e: {  	[sflag:s21] =	ssyncadd.s32 $0xFFFFC000;
	s28 =	sadd.s32 $0x10, s28;
	s29 =	sadd.s32 $0x10, s29  }
0x2f: {  	[tilespmem:s4], [sflag:$0x2] =	stream.linear.gather [hbm4b:s29+s4], $0x80, $0x38;
	[tilespmem:$0x18100] =	vst v63  }
0x30: {  	p0 =	sne.s32 s26, $0x1;
	s26 =	sadd.s32 $0xFFFFFFFF, s26;
	_ =	swait.ge [sflag:s21], $0x80  }
0x31: {  	[sflag:s21] =	ssyncset.done $0x0  }
0x32: {  	[sflag:s21] =	ssyncadd.s32 $0xFFFFFF80  }
0x33: {  	[tilespmem:s22], [sflag:$0x2] =	stream.linear.gather [hbm4b:s28+s4], $0x80, $0x38;
	[tilespmem:$0x18100] =	vst v63  }
0x34: {  	_ =	swait.ge [sflag:s21], $0x80  }
0x35: {  	[sflag:s21] =	ssyncset.done $0x0  }
0x36: {  	[sflag:s21] =	ssyncadd.s32 $0xFFFFFF80  }
0x37: {  	[tilespmem:s23], [sflag:$0x1] =	stream.indirect.gather [hbm4b:s2+s22], $0x80, s4, s22, $0xb8;
	[tilespmem:$0x18100] =	vst v63  }
0x38: {  	_ =	swait.ge [sflag:s24], $0x4000  }
.Ltmp1:
0x39: {  	[sflag:s24] =	ssyncset.done $0x0;
	(pc) =	sbr.rel @p0 .LBB2_2-.Ltmp1, $4  }
0x3a: {  	[sflag:s24] =	ssyncadd.s32 $0xFFFFC000  }
0x3b: {  	[spmem:s3] =	stream.indirect.scatter.add.f32 [tilespmem:s23], [sflag:$0x2], $0x80, s22, s22, $0xb8;
	[tilespmem:$0x18100] =	vst v63  }
0x3c: {  	_ =	swait.ge [sflag:s21], $0x4000  }
0x3d: {  	[sflag:s21] =	ssyncset.done $0x0  }
.LBB2_3:
0x3e: {  	[sflag:s21] =	ssyncadd.s32 $0xFFFFC000  }
0x3f: {  	[bflag:$0x0] =	sbarrier.arrive $0xFFFF  }
0x40: {  	[tilespmem:s23], [sflag:$0x2] =	stream.linear.gather [spmem:s6], $0x4000, $0x38;
	[tilespmem:$0x18100] =	vst v63  }
0x41: {  	_ =	swait.ge [sflag:s21], $0x4000  }
0x42: {  	[sflag:s21] =	ssyncset.done $0x0  }
0x43: {  	[sflag:s21] =	ssyncadd.s32 $0xFFFFC000  }
0x44: {  	[hbm4b:s10+s4] =	stream.linear.scatter [tilespmem:s23], [sflag:$0x2], $0x4000, $0x38;
	[tilespmem:$0x18100] =	vst v63  }
0x45: {  	_ =	swait.ge [sflag:s21], $0x4000  }
0x46: {  	[sflag:s21] =	ssyncset.done $0x0  }
0x47: {  	[sflag:s21] =	ssyncadd.s32 $0xFFFFC000  }
0x48: {  	[tilespmem:s23], [sflag:$0x2] =	stream.linear.gather [spmem:s11], $0x4000, $0x38;
	[tilespmem:$0x18100] =	vst v63  }
0x49: {  	_ =	swait.ge [sflag:s21], $0x4000  }
0x4a: {  	[sflag:s21] =	ssyncset.done $0x0  }
0x4b: {  	[sflag:s21] =	ssyncadd.s32 $0xFFFFC000  }
0x4c: {  	[hbm4b:s12+s4] =	stream.linear.scatter [tilespmem:s23], [sflag:$0x2], $0x4000, $0x38;
	[tilespmem:$0x18100] =	vst v63  }
0x4d: {  	_ =	swait.ge [sflag:s21], $0x4000  }
0x4e: {  	[sflag:s21] =	ssyncset.done $0x0  }
0x4f: {  	[sflag:s21] =	ssyncadd.s32 $0xFFFFC000  }
0x50: {  	[tilespmem:s23], [sflag:$0x2] =	stream.linear.gather [spmem:s13], $0x4000, $0x38;
	[tilespmem:$0x18100] =	vst v63  }
0x51: {  	_ =	swait.ge [sflag:s21], $0x4000  }
0x52: {  	[sflag:s21] =	ssyncset.done $0x0  }
0x53: {  	[sflag:s21] =	ssyncadd.s32 $0xFFFFC000  }
0x54: {  	[hbm4b:s14+s4] =	stream.linear.scatter [tilespmem:s23], [sflag:$0x2], $0x4000, $0x38;
	[tilespmem:$0x18100] =	vst v63  }
0x55: {  	_ =	swait.ge [sflag:s21], $0x4000  }
0x56: {  	[sflag:s21] =	ssyncset.done $0x0  }
0x57: {  	[sflag:s21] =	ssyncadd.s32 $0xFFFFC000  }
0x58: {  	[tilespmem:s23], [sflag:$0x2] =	stream.linear.gather [spmem:s15], $0x4000, $0x38;
	[tilespmem:$0x18100] =	vst v63  }
0x59: {  	_ =	swait.ge [sflag:s21], $0x4000  }
0x5a: {  	[sflag:s21] =	ssyncset.done $0x0  }
0x5b: {  	[sflag:s21] =	ssyncadd.s32 $0xFFFFC000  }
0x5c: {  	[hbm4b:s16+s4] =	stream.linear.scatter [tilespmem:s23], [sflag:$0x2], $0x4000, $0x38;
	[tilespmem:$0x18100] =	vst v63  }
0x5d: {  	_ =	swait.ge [sflag:s21], $0x4000  }
0x5e: {  	[sflag:s21] =	ssyncset.done $0x0  }
0x5f: {  	[sflag:s21] =	ssyncadd.s32 $0xFFFFC000  }
0x60: {  	[tilespmem:s23], [sflag:$0x2] =	stream.linear.gather [spmem:s17], $0x4000, $0x38;
	[tilespmem:$0x18100] =	vst v63  }
0x61: {  	s25 =	sadd.s32 $0x1, s25;
	_ =	swait.ge [sflag:s21], $0x4000  }
0x62: {  	p0 =	sne.s32 s25, s9;
	[sflag:s21] =	ssyncset.done $0x0  }
.Ltmp2:
0x63: {  	[sflag:s21] =	ssyncadd.s32 $0xFFFFC000;
	(pc) =	sbr.rel @p0 .LBB2_1-.Ltmp2, $4  }
0x64: {  	[hbm4b:s18+s4] =	stream.linear.scatter [tilespmem:s23], [sflag:$0x2], $0x4000, $0x38;
	[tilespmem:$0x18100] =	vst v63  }
0x65: {  	_ =	swait.ge [sflag:s21], $0x4000  }
0x66: {  	[sflag:s21] =	ssyncset.done $0x0  }
0x67: {  	[sflag:s21] =	ssyncadd.s32 $0xFFFFC000  }
0x68: {  	_ =	sfence.sel $0x180000  }
0x69: {  	[bflag:$0x0] =	sbarrier.arrive $0xFFFF  }
0x6a: {  	p0 =	sne.s32 s1, $0x0;
	_ =	strace $0x90000050  }
0x6b: {  	s0 =	sadd.s32 @!p0 $0x100000, s0;
	[bflag:$0x2] =	sbarrier.arrive $0xFFFF  }
0x6c: {  	[sflag:s0] =	ssyncadd.tile.s32 @!p0 $0x1;
	_ =	shalt  }
.Lfunc_end2:
_tile_overlayer_lowered:
.L_overlay_start_2:
0x6d: {  	(tag) =	ssettag $0x2  }
0x6e: {  	s0 =	rddreg [dreg:$0x0];
	s2 =	stileid.u32  }
0x6f: {  	s1 =	rddreg [dreg:$0x1];
	p0 =	sne.s32 s2, $0x0  }
0x70: {  	s3 =	rddreg [dreg:$0x2];
	[bflag:$0x3] =	sbarrier.arrive $0xFFFF;
	s2 =	simm.s32 @!p0 $0x1C02  }
0x71: {  	[timem:s3], [sflag:s2] =	dma.local @!p0 [hbm:s0], s1  }
0x72: {  	s0 =	simm.s32 @!p0 $0x2  }
0x73: {  	_ =	swait.ge @!p0 [sflag:s0], s1  }
0x74: {  	s1 =	ssub.s32 @!p0 $0x0, s1;
	[sflag:s0] =	ssyncset.done @!p0 $0x0  }
0x75: {  	[sflag:s0] =	ssyncadd.s32 @!p0 s1  }
0x76: {  	[bflag:$0x3] =	sbarrier.arrive $0xFFFF  }
0x77: {  	_ =	shalt  }

</sc_bundles>
